<compile_context>
chip_gen: v7x
topology: tpu7x:2x2x1
jax: 0.10.2.dev20260603
libtpu: 0.0.44.dev20260713+nightly
codegen_flags: <defaults>
</compile_context>

<pallas_src>
import functools
import jax
import jax.numpy as jnp
import numpy as np
from jax import lax
from jax.experimental import pallas as pl
from jax.experimental.pallas import tpu as pltpu
from jax.experimental.pallas import tpu_sc as plsc

_IDX = np.array([0, 2, 3, 5, 7, 8, 10, 12, 13, 15, 17, 20, 22, 25, 27, 30,
                 33, 36, 40, 44, 48, 52, 57, 62], dtype=np.int32)

_NC, _NS = 2, 16
_NW = _NC * _NS
_G = 64 * 32
_K = 24
_R = 128
_D = 64
_OUT_ROWS = _G * _K
_RPW = _OUT_ROWS // _NW
_CH = 192
_NCHUNK = _RPW // _CH
_GPC = _CH // _K
_NVR = _CH // 16

_PATS = np.array([(o // _K) * _D + _IDX[o % _K] for o in range(48)],
                 dtype=np.int32)


def _sc_body(x_hbm, pats_hbm, y_hbm, pats_v, idx0_v, idx1_v, buf0_v, buf1_v,
             gsem0, gsem1, wsem0, wsem1):
    wid = lax.axis_index("s") * _NC + lax.axis_index("c")
    base = wid * _RPW
    pltpu.sync_copy(pats_hbm, pats_v)
    p = [pats_v[pl.ds(16 * m, 16)] for m in range(3)]
    idx = [idx0_v, idx1_v]
    buf = [buf0_v, buf1_v]
    gsem = [gsem0, gsem1]
    wsem = [wsem0, wsem1]

    def build_idx(c, iv):
        g0 = wid * (_RPW // _K) + c * _GPC
        for m in range(_NVR):
            iv[pl.ds(16 * m, 16)] = p[m % 3] + (g0 + 2 * (m // 3)) * _D

    def start_gather(c, b):
        return pltpu.async_copy(x_hbm.at[idx[b]], buf[b], gsem[b])

    def start_write(c, b):
        return pltpu.async_copy(buf[b], y_hbm.at[pl.ds(base + c * _CH, _CH)],
                                wsem[b])

    build_idx(0, idx[0])
    g = [start_gather(0, 0), None]
    w = [None, None]
    for c in range(_NCHUNK):
        b = c & 1
        nb = 1 - b
        if c + 1 < _NCHUNK:
            if w[nb] is not None:
                w[nb].wait()
            build_idx(c + 1, idx[nb])
            g[nb] = start_gather(c + 1, nb)
        g[b].wait()
        w[b] = start_write(c, b)
    w[0].wait()
    w[1].wait()


def kernel(inputs):
    B, C, R, D = inputs.shape
    xt = jnp.transpose(inputs, (0, 1, 3, 2)).reshape(_G * _D, _R)
    mesh = plsc.VectorSubcoreMesh(core_axis_name="c", subcore_axis_name="s",
                                  num_cores=_NC, num_subcores=_NS)
    run = functools.partial(
        pl.kernel,
        out_type=jax.ShapeDtypeStruct((_OUT_ROWS, _R), jnp.float32),
        mesh=mesh,
        compiler_params=pltpu.CompilerParams(needs_layout_passes=False,
                                             skip_device_barrier=True),
        scratch_types=[
            pltpu.VMEM((48,), jnp.int32),
            pltpu.VMEM((_CH,), jnp.int32),
            pltpu.VMEM((_CH,), jnp.int32),
            pltpu.VMEM((_CH, _R), jnp.float32),
            pltpu.VMEM((_CH, _R), jnp.float32),
            pltpu.SemaphoreType.DMA,
            pltpu.SemaphoreType.DMA,
            pltpu.SemaphoreType.DMA,
            pltpu.SemaphoreType.DMA,
        ],
    )(_sc_body)
    y = run(xt, jnp.asarray(_PATS))
    return y.reshape(B, C, _K, _R).transpose(0, 1, 3, 2)

# --- scband reference (transcript-rebuilt; emitter-appended) ---
"""Pipeline reference for scband-selection-layer-70205535421127 (READ-ONLY COPY).

The authoritative reference and input builder live on the scoring server;
editing this copy changes nothing except your own understanding.
"""

import jax, jax.numpy as jnp
import numpy as np

PAT_INDEX = jnp.array([0, 2, 3, 5, 7, 8, 10, 12, 13, 15, 17, 20, 22, 25, 27, 30, 33, 36, 40, 44, 48, 52, 57, 62], dtype=jnp.int32)

def setup_inputs(seed: int = 0) -> dict:
    key = jax.random.key(seed)
    inputs = jax.random.normal(key, (64, 32, 128, 64), dtype=jnp.float32)
    return {"inputs": inputs}

def reference(inputs):
    # tf.gather(inputs, indices=pat_index, axis=3)
    selected = jnp.take(inputs, PAT_INDEX, axis=3)
    return selected

if __name__ == "__main__":
    import jax
    _d = setup_inputs()
    print(jax.jit(kernel)(*tuple(_d.values())))

</pallas_src>

<mosaic_0001>
#map = affine_map<(d0, d1) -> (0, 0)>
#map1 = affine_map<(d0, d1) -> (0)>
module attributes {stable_mosaic.version = 14 : i64} {
  func.func @_sc_body(%arg0: i32, %arg1: i32, %arg2: memref<131072x128xf32, #tpu.memory_space<hbm>>, %arg3: memref<48xi32, #tpu.memory_space<hbm>>, %arg4: memref<49152x128xf32, #tpu.memory_space<hbm>>, %arg5: memref<48xi32, #tpu.memory_space<vmem>>, %arg6: memref<192xi32, #tpu.memory_space<vmem>>, %arg7: memref<192xi32, #tpu.memory_space<vmem>>, %arg8: memref<192x128xf32, #tpu.memory_space<vmem>>, %arg9: memref<192x128xf32, #tpu.memory_space<vmem>>, %arg10: memref<!tpu.dma_semaphore, #tpu.memory_space<semaphore_mem>>, %arg11: memref<!tpu.dma_semaphore, #tpu.memory_space<semaphore_mem>>, %arg12: memref<!tpu.dma_semaphore, #tpu.memory_space<semaphore_mem>>, %arg13: memref<!tpu.dma_semaphore, #tpu.memory_space<semaphore_mem>>) attributes {dimension_semantics = [#tpu.dimension_semantics<core_parallel>, #tpu.dimension_semantics<subcore_parallel>], iteration_bounds = array<i64: 2, 16>, scalar_prefetch = 0 : i64, scratch_operands = 9 : i64, tpu.core_type = #tpu.core_type<sc_vector_subcore>, window_params = [{transform_indices = #map}, {transform_indices = #map1}, {transform_indices = #map}]} {
    %mul3A = arith.constant 2 : i32
    %mul3A_0 = arith.muli %arg1, %mul3A : i32
    %add3A = arith.addi %mul3A_0, %arg0 : i32
    %mul3A_1 = arith.constant 1536 : i32
    %mul3A_2 = arith.muli %add3A, %mul3A_1 : i32
    "tpu.region"() ({
      %run_scoped3A = tpu.sem_alloc : memref<!tpu.dma_semaphore, #tpu.memory_space<semaphore_mem>>
      tpu.enqueue_dma source(%arg3 : memref<48xi32, #tpu.memory_space<hbm>>) target(%arg5 : memref<48xi32, #tpu.memory_space<vmem>>) target_semaphore(%run_scoped3A : memref<!tpu.dma_semaphore, #tpu.memory_space<semaphore_mem>>)
      tpu.wait_dma2 semaphore(%run_scoped3A : memref<!tpu.dma_semaphore, #tpu.memory_space<semaphore_mem>>) src(%arg3 : memref<48xi32, #tpu.memory_space<hbm>>) dst(%arg5 : memref<48xi32, #tpu.memory_space<vmem>>)
      tpu.yield
    }) : () -> ()
    %get3A = arith.constant 0 : index
    %get3A_3 = tpu.vector_load %arg5[%get3A] {strides = array<i32>} : memref<48xi32, #tpu.memory_space<vmem>>, vector<16xi32>,
    %get3A_4 = arith.constant 16 : index
    %get3A_5 = tpu.vector_load %arg5[%get3A_4] {strides = array<i32>} : memref<48xi32, #tpu.memory_space<vmem>>, vector<16xi32>,
    %get3A_6 = arith.constant 32 : index
    %get3A_7 = tpu.vector_load %arg5[%get3A_6] {strides = array<i32>} : memref<48xi32, #tpu.memory_space<vmem>>, vector<16xi32>,
    %mul3A_8 = arith.constant 64 : i32
    %mul3A_9 = arith.muli %add3A, %mul3A_8 : i32
    %add3A_10 = arith.constant 0 : i32
    %add3A_11 = arith.addi %mul3A_9, %add3A_10 : i32
    %add3A_12 = arith.constant 0 : i32
    %add3A_13 = arith.addi %add3A_11, %add3A_12 : i32
    %mul3A_14 = arith.constant 64 : i32
    %mul3A_15 = arith.muli %add3A_13, %mul3A_14 : i32
    %add3A_16 = vector.broadcast %mul3A_15 : i32 to vector<16xi32>
    %add3A_17 = arith.addi %get3A_3, %add3A_16 : vector<16xi32>
    %swap3A = arith.constant 0 : index
    %swap3A_18 = tpu.vector_load %arg6[%swap3A] {strides = array<i32>} : memref<192xi32, #tpu.memory_space<vmem>>, vector<16xi32>,
    tpu.vector_store %arg6[%swap3A], %add3A_17 {strides = array<i32>} : memref<192xi32, #tpu.memory_space<vmem>>, vector<16xi32>,
    %add3A_19 = arith.constant 0 : i32
    %add3A_20 = arith.addi %add3A_11, %add3A_19 : i32
    %mul3A_21 = arith.constant 64 : i32
    %mul3A_22 = arith.muli %add3A_20, %mul3A_21 : i32
    %add3A_23 = vector.broadcast %mul3A_22 : i32 to vector<16xi32>
    %add3A_24 = arith.addi %get3A_5, %add3A_23 : vector<16xi32>
    %swap3A_25 = arith.constant 16 : index
    %swap3A_26 = tpu.vector_load %arg6[%swap3A_25] {strides = array<i32>} : memref<192xi32, #tpu.memory_space<vmem>>, vector<16xi32>,
    tpu.vector_store %arg6[%swap3A_25], %add3A_24 {strides = array<i32>} : memref<192xi32, #tpu.memory_space<vmem>>, vector<16xi32>,
    %add3A_27 = arith.constant 0 : i32
    %add3A_28 = arith.addi %add3A_11, %add3A_27 : i32
    %mul3A_29 = arith.constant 64 : i32
    %mul3A_30 = arith.muli %add3A_28, %mul3A_29 : i32
    %add3A_31 = vector.broadcast %mul3A_30 : i32 to vector<16xi32>
    %add3A_32 = arith.addi %get3A_7, %add3A_31 : vector<16xi32>
    %swap3A_33 = arith.constant 32 : index
    %swap3A_34 = tpu.vector_load %arg6[%swap3A_33] {strides = array<i32>} : memref<192xi32, #tpu.memory_space<vmem>>, vector<16xi32>,
    tpu.vector_store %arg6[%swap3A_33], %add3A_32 {strides = array<i32>} : memref<192xi32, #tpu.memory_space<vmem>>, vector<16xi32>,
    %add3A_35 = arith.constant 2 : i32
    %add3A_36 = arith.addi %add3A_11, %add3A_35 : i32
    %mul3A_37 = arith.constant 64 : i32
    %mul3A_38 = arith.muli %add3A_36, %mul3A_37 : i32
    %add3A_39 = vector.broadcast %mul3A_38 : i32 to vector<16xi32>
    %add3A_40 = arith.addi %get3A_3, %add3A_39 : vector<16xi32>
    %swap3A_41 = arith.constant 48 : index
    %swap3A_42 = tpu.vector_load %arg6[%swap3A_41] {strides = array<i32>} : memref<192xi32, #tpu.memory_space<vmem>>, vector<16xi32>,
    tpu.vector_store %arg6[%swap3A_41], %add3A_40 {strides = array<i32>} : memref<192xi32, #tpu.memory_space<vmem>>, vector<16xi32>,
    %add3A_43 = arith.constant 2 : i32
    %add3A_44 = arith.addi %add3A_11, %add3A_43 : i32
    %mul3A_45 = arith.constant 64 : i32
    %mul3A_46 = arith.muli %add3A_44, %mul3A_45 : i32
    %add3A_47 = vector.broadcast %mul3A_46 : i32 to vector<16xi32>
    %add3A_48 = arith.addi %get3A_5, %add3A_47 : vector<16xi32>
    %swap3A_49 = arith.constant 64 : index
    %swap3A_50 = tpu.vector_load %arg6[%swap3A_49] {strides = array<i32>} : memref<192xi32, #tpu.memory_space<vmem>>, vector<16xi32>,
    tpu.vector_store %arg6[%swap3A_49], %add3A_48 {strides = array<i32>} : memref<192xi32, #tpu.memory_space<vmem>>, vector<16xi32>,
    %add3A_51 = arith.constant 2 : i32
    %add3A_52 = arith.addi %add3A_11, %add3A_51 : i32
    %mul3A_53 = arith.constant 64 : i32
    %mul3A_54 = arith.muli %add3A_52, %mul3A_53 : i32
    %add3A_55 = vector.broadcast %mul3A_54 : i32 to vector<16xi32>
    %add3A_56 = arith.addi %get3A_7, %add3A_55 : vector<16xi32>
    %swap3A_57 = arith.constant 80 : index
    %swap3A_58 = tpu.vector_load %arg6[%swap3A_57] {strides = array<i32>} : memref<192xi32, #tpu.memory_space<vmem>>, vector<16xi32>,
    tpu.vector_store %arg6[%swap3A_57], %add3A_56 {strides = array<i32>} : memref<192xi32, #tpu.memory_space<vmem>>, vector<16xi32>,
    %add3A_59 = arith.constant 4 : i32
    %add3A_60 = arith.addi %add3A_11, %add3A_59 : i32
    %mul3A_61 = arith.constant 64 : i32
    %mul3A_62 = arith.muli %add3A_60, %mul3A_61 : i32
    %add3A_63 = vector.broadcast %mul3A_62 : i32 to vector<16xi32>
    %add3A_64 = arith.addi %get3A_3, %add3A_63 : vector<16xi32>
    %swap3A_65 = arith.constant 96 : index
    %swap3A_66 = tpu.vector_load %arg6[%swap3A_65] {strides = array<i32>} : memref<192xi32, #tpu.memory_space<vmem>>, vector<16xi32>,
    tpu.vector_store %arg6[%swap3A_65], %add3A_64 {strides = array<i32>} : memref<192xi32, #tpu.memory_space<vmem>>, vector<16xi32>,
    %add3A_67 = arith.constant 4 : i32
    %add3A_68 = arith.addi %add3A_11, %add3A_67 : i32
    %mul3A_69 = arith.constant 64 : i32
    %mul3A_70 = arith.muli %add3A_68, %mul3A_69 : i32
    %add3A_71 = vector.broadcast %mul3A_70 : i32 to vector<16xi32>
    %add3A_72 = arith.addi %get3A_5, %add3A_71 : vector<16xi32>
    %swap3A_73 = arith.constant 112 : index
    %swap3A_74 = tpu.vector_load %arg6[%swap3A_73] {strides = array<i32>} : memref<192xi32, #tpu.memory_space<vmem>>, vector<16xi32>,
    tpu.vector_store %arg6[%swap3A_73], %add3A_72 {strides = array<i32>} : memref<192xi32, #tpu.memory_space<vmem>>, vector<16xi32>,
    %add3A_75 = arith.constant 4 : i32
    %add3A_76 = arith.addi %add3A_11, %add3A_75 : i32
    %mul3A_77 = arith.constant 64 : i32
    %mul3A_78 = arith.muli %add3A_76, %mul3A_77 : i32
    %add3A_79 = vector.broadcast %mul3A_78 : i32 to vector<16xi32>
    %add3A_80 = arith.addi %get3A_7, %add3A_79 : vector<16xi32>
    %swap3A_81 = arith.constant 128 : index
    %swap3A_82 = tpu.vector_load %arg6[%swap3A_81] {strides = array<i32>} : memref<192xi32, #tpu.memory_space<vmem>>, vector<16xi32>,
    tpu.vector_store %arg6[%swap3A_81], %add3A_80 {strides = array<i32>} : memref<192xi32, #tpu.memory_space<vmem>>, vector<16xi32>,
    %add3A_83 = arith.constant 6 : i32
    %add3A_84 = arith.addi %add3A_11, %add3A_83 : i32
    %mul3A_85 = arith.constant 64 : i32
    %mul3A_86 = arith.muli %add3A_84, %mul3A_85 : i32
    %add3A_87 = vector.broadcast %mul3A_86 : i32 to vector<16xi32>
    %add3A_88 = arith.addi %get3A_3, %add3A_87 : vector<16xi32>
    %swap3A_89 = arith.constant 144 : index
    %swap3A_90 = tpu.vector_load %arg6[%swap3A_89] {strides = array<i32>} : memref<192xi32, #tpu.memory_space<vmem>>, vector<16xi32>,
    tpu.vector_store %arg6[%swap3A_89], %add3A_88 {strides = array<i32>} : memref<192xi32, #tpu.memory_space<vmem>>, vector<16xi32>,
    %add3A_91 = arith.constant 6 : i32
    %add3A_92 = arith.addi %add3A_11, %add3A_91 : i32
    %mul3A_93 = arith.constant 64 : i32
    %mul3A_94 = arith.muli %add3A_92, %mul3A_93 : i32
    %add3A_95 = vector.broadcast %mul3A_94 : i32 to vector<16xi32>
    %add3A_96 = arith.addi %get3A_5, %add3A_95 : vector<16xi32>
    %swap3A_97 = arith.constant 160 : index
    %swap3A_98 = tpu.vector_load %arg6[%swap3A_97] {strides = array<i32>} : memref<192xi32, #tpu.memory_space<vmem>>, vector<16xi32>,
    tpu.vector_store %arg6[%swap3A_97], %add3A_96 {strides = array<i32>} : memref<192xi32, #tpu.memory_space<vmem>>, vector<16xi32>,
    %add3A_99 = arith.constant 6 : i32
    %add3A_100 = arith.addi %add3A_11, %add3A_99 : i32
    %mul3A_101 = arith.constant 64 : i32
    %mul3A_102 = arith.muli %add3A_100, %mul3A_101 : i32
    %add3A_103 = vector.broadcast %mul3A_102 : i32 to vector<16xi32>
    %add3A_104 = arith.addi %get3A_7, %add3A_103 : vector<16xi32>
    %swap3A_105 = arith.constant 176 : index
    %swap3A_106 = tpu.vector_load %arg6[%swap3A_105] {strides = array<i32>} : memref<192xi32, #tpu.memory_space<vmem>>, vector<16xi32>,
    tpu.vector_store %arg6[%swap3A_105], %add3A_104 {strides = array<i32>} : memref<192xi32, #tpu.memory_space<vmem>>, vector<16xi32>,
    %dma_start3A = arith.constant 0 : i32
    %dma_start3A_107 = arith.constant 0 : i32
    %dma_start3A_108 = tpu.memref_slice %arg2[%dma_start3A, %dma_start3A_107] : memref<131072x128xf32, #tpu.memory_space<hbm>> -> memref<131072x128xf32, #tpu.memory_space<hbm>>
    tpu.enqueue_indirect_dma source(%dma_start3A_108 : memref<131072x128xf32, #tpu.memory_space<hbm>>) target(%arg8 : memref<192x128xf32, #tpu.memory_space<vmem>>) offsets(%arg6 : memref<192xi32, #tpu.memory_space<vmem>>) semaphore(%arg10 : memref<!tpu.dma_semaphore, #tpu.memory_space<semaphore_mem>>)
    %mul3A_109 = arith.constant 64 : i32
    %mul3A_110 = arith.muli %add3A, %mul3A_109 : i32
    %add3A_111 = arith.constant 8 : i32
    %add3A_112 = arith.addi %mul3A_110, %add3A_111 : i32
    %add3A_113 = arith.constant 0 : i32
    %add3A_114 = arith.addi %add3A_112, %add3A_113 : i32
    %mul3A_115 = arith.constant 64 : i32
    %mul3A_116 = arith.muli %add3A_114, %mul3A_115 : i32
    %add3A_117 = vector.broadcast %mul3A_116 : i32 to vector<16xi32>
    %add3A_118 = arith.addi %get3A_3, %add3A_117 : vector<16xi32>
    %swap3A_119 = arith.constant 0 : index
    %swap3A_120 = tpu.vector_load %arg7[%swap3A_119] {strides = array<i32>} : memref<192xi32, #tpu.memory_space<vmem>>, vector<16xi32>,
    tpu.vector_store %arg7[%swap3A_119], %add3A_118 {strides = array<i32>} : memref<192xi32, #tpu.memory_space<vmem>>, vector<16xi32>,
    %add3A_121 = arith.constant 0 : i32
    %add3A_122 = arith.addi %add3A_112, %add3A_121 : i32
    %mul3A_123 = arith.constant 64 : i32
    %mul3A_124 = arith.muli %add3A_122, %mul3A_123 : i32
    %add3A_125 = vector.broadcast %mul3A_124 : i32 to vector<16xi32>
    %add3A_126 = arith.addi %get3A_5, %add3A_125 : vector<16xi32>
    %swap3A_127 = arith.constant 16 : index
    %swap3A_128 = tpu.vector_load %arg7[%swap3A_127] {strides = array<i32>} : memref<192xi32, #tpu.memory_space<vmem>>, vector<16xi32>,
    tpu.vector_store %arg7[%swap3A_127], %add3A_126 {strides = array<i32>} : memref<192xi32, #tpu.memory_space<vmem>>, vector<16xi32>,
    %add3A_129 = arith.constant 0 : i32
    %add3A_130 = arith.addi %add3A_112, %add3A_129 : i32
    %mul3A_131 = arith.constant 64 : i32
    %mul3A_132 = arith.muli %add3A_130, %mul3A_131 : i32
    %add3A_133 = vector.broadcast %mul3A_132 : i32 to vector<16xi32>
    %add3A_134 = arith.addi %get3A_7, %add3A_133 : vector<16xi32>
    %swap3A_135 = arith.constant 32 : index
    %swap3A_136 = tpu.vector_load %arg7[%swap3A_135] {strides = array<i32>} : memref<192xi32, #tpu.memory_space<vmem>>, vector<16xi32>,
    tpu.vector_store %arg7[%swap3A_135], %add3A_134 {strides = array<i32>} : memref<192xi32, #tpu.memory_space<vmem>>, vector<16xi32>,
    %add3A_137 = arith.constant 2 : i32
    %add3A_138 = arith.addi %add3A_112, %add3A_137 : i32
    %mul3A_139 = arith.constant 64 : i32
    %mul3A_140 = arith.muli %add3A_138, %mul3A_139 : i32
    %add3A_141 = vector.broadcast %mul3A_140 : i32 to vector<16xi32>
    %add3A_142 = arith.addi %get3A_3, %add3A_141 : vector<16xi32>
    %swap3A_143 = arith.constant 48 : index
    %swap3A_144 = tpu.vector_load %arg7[%swap3A_143] {strides = array<i32>} : memref<192xi32, #tpu.memory_space<vmem>>, vector<16xi32>,
    tpu.vector_store %arg7[%swap3A_143], %add3A_142 {strides = array<i32>} : memref<192xi32, #tpu.memory_space<vmem>>, vector<16xi32>,
    %add3A_145 = arith.constant 2 : i32
    %add3A_146 = arith.addi %add3A_112, %add3A_145 : i32
    %mul3A_147 = arith.constant 64 : i32
    %mul3A_148 = arith.muli %add3A_146, %mul3A_147 : i32
    %add3A_149 = vector.broadcast %mul3A_148 : i32 to vector<16xi32>
    %add3A_150 = arith.addi %get3A_5, %add3A_149 : vector<16xi32>
    %swap3A_151 = arith.constant 64 : index
    %swap3A_152 = tpu.vector_load %arg7[%swap3A_151] {strides = array<i32>} : memref<192xi32, #tpu.memory_space<vmem>>, vector<16xi32>,
    tpu.vector_store %arg7[%swap3A_151], %add3A_150 {strides = array<i32>} : memref<192xi32, #tpu.memory_space<vmem>>, vector<16xi32>,
    %add3A_153 = arith.constant 2 : i32
    %add3A_154 = arith.addi %add3A_112, %add3A_153 : i32
    %mul3A_155 = arith.constant 64 : i32
    %mul3A_156 = arith.muli %add3A_154, %mul3A_155 : i32
    %add3A_157 = vector.broadcast %mul3A_156 : i32 to vector<16xi32>
    %add3A_158 = arith.addi %get3A_7, %add3A_157 : vector<16xi32>
    %swap3A_159 = arith.constant 80 : index
    %swap3A_160 = tpu.vector_load %arg7[%swap3A_159] {strides = array<i32>} : memref<192xi32, #tpu.memory_space<vmem>>, vector<16xi32>,
    tpu.vector_store %arg7[%swap3A_159], %add3A_158 {strides = array<i32>} : memref<192xi32, #tpu.memory_space<vmem>>, vector<16xi32>,
    %add3A_161 = arith.constant 4 : i32
    %add3A_162 = arith.addi %add3A_112, %add3A_161 : i32
    %mul3A_163 = arith.constant 64 : i32
    %mul3A_164 = arith.muli %add3A_162, %mul3A_163 : i32
    %add3A_165 = vector.broadcast %mul3A_164 : i32 to vector<16xi32>
    %add3A_166 = arith.addi %get3A_3, %add3A_165 : vector<16xi32>
    %swap3A_167 = arith.constant 96 : index
    %swap3A_168 = tpu.vector_load %arg7[%swap3A_167] {strides = array<i32>} : memref<192xi32, #tpu.memory_space<vmem>>, vector<16xi32>,
    tpu.vector_store %arg7[%swap3A_167], %add3A_166 {strides = array<i32>} : memref<192xi32, #tpu.memory_space<vmem>>, vector<16xi32>,
    %add3A_169 = arith.constant 4 : i32
    %add3A_170 = arith.addi %add3A_112, %add3A_169 : i32
    %mul3A_171 = arith.constant 64 : i32
    %mul3A_172 = arith.muli %add3A_170, %mul3A_171 : i32
    %add3A_173 = vector.broadcast %mul3A_172 : i32 to vector<16xi32>
    %add3A_174 = arith.addi %get3A_5, %add3A_173 : vector<16xi32>
    %swap3A_175 = arith.constant 112 : index
    %swap3A_176 = tpu.vector_load %arg7[%swap3A_175] {strides = array<i32>} : memref<192xi32, #tpu.memory_space<vmem>>, vector<16xi32>,
    tpu.vector_store %arg7[%swap3A_175], %add3A_174 {strides = array<i32>} : memref<192xi32, #tpu.memory_space<vmem>>, vector<16xi32>,
    %add3A_177 = arith.constant 4 : i32
    %add3A_178 = arith.addi %add3A_112, %add3A_177 : i32
    %mul3A_179 = arith.constant 64 : i32
    %mul3A_180 = arith.muli %add3A_178, %mul3A_179 : i32
    %add3A_181 = vector.broadcast %mul3A_180 : i32 to vector<16xi32>
    %add3A_182 = arith.addi %get3A_7, %add3A_181 : vector<16xi32>
    %swap3A_183 = arith.constant 128 : index
    %swap3A_184 = tpu.vector_load %arg7[%swap3A_183] {strides = array<i32>} : memref<192xi32, #tpu.memory_space<vmem>>, vector<16xi32>,
    tpu.vector_store %arg7[%swap3A_183], %add3A_182 {strides = array<i32>} : memref<192xi32, #tpu.memory_space<vmem>>, vector<16xi32>,
    %add3A_185 = arith.constant 6 : i32
    %add3A_186 = arith.addi %add3A_112, %add3A_185 : i32
    %mul3A_187 = arith.constant 64 : i32
    %mul3A_188 = arith.muli %add3A_186, %mul3A_187 : i32
    %add3A_189 = vector.broadcast %mul3A_188 : i32 to vector<16xi32>
    %add3A_190 = arith.addi %get3A_3, %add3A_189 : vector<16xi32>
    %swap3A_191 = arith.constant 144 : index
    %swap3A_192 = tpu.vector_load %arg7[%swap3A_191] {strides = array<i32>} : memref<192xi32, #tpu.memory_space<vmem>>, vector<16xi32>,
    tpu.vector_store %arg7[%swap3A_191], %add3A_190 {strides = array<i32>} : memref<192xi32, #tpu.memory_space<vmem>>, vector<16xi32>,
    %add3A_193 = arith.constant 6 : i32
    %add3A_194 = arith.addi %add3A_112, %add3A_193 : i32
    %mul3A_195 = arith.constant 64 : i32
    %mul3A_196 = arith.muli %add3A_194, %mul3A_195 : i32
    %add3A_197 = vector.broadcast %mul3A_196 : i32 to vector<16xi32>
    %add3A_198 = arith.addi %get3A_5, %add3A_197 : vector<16xi32>
    %swap3A_199 = arith.constant 160 : index
    %swap3A_200 = tpu.vector_load %arg7[%swap3A_199] {strides = array<i32>} : memref<192xi32, #tpu.memory_space<vmem>>, vector<16xi32>,
    tpu.vector_store %arg7[%swap3A_199], %add3A_198 {strides = array<i32>} : memref<192xi32, #tpu.memory_space<vmem>>, vector<16xi32>,
    %add3A_201 = arith.constant 6 : i32
    %add3A_202 = arith.addi %add3A_112, %add3A_201 : i32
    %mul3A_203 = arith.constant 64 : i32
    %mul3A_204 = arith.muli %add3A_202, %mul3A_203 : i32
    %add3A_205 = vector.broadcast %mul3A_204 : i32 to vector<16xi32>
    %add3A_206 = arith.addi %get3A_7, %add3A_205 : vector<16xi32>
    %swap3A_207 = arith.constant 176 : index
    %swap3A_208 = tpu.vector_load %arg7[%swap3A_207] {strides = array<i32>} : memref<192xi32, #tpu.memory_space<vmem>>, vector<16xi32>,
    tpu.vector_store %arg7[%swap3A_207], %add3A_206 {strides = array<i32>} : memref<192xi32, #tpu.memory_space<vmem>>, vector<16xi32>,
    %dma_start3A_209 = arith.constant 0 : i32
    %dma_start3A_210 = arith.constant 0 : i32
    %dma_start3A_211 = tpu.memref_slice %arg2[%dma_start3A_209, %dma_start3A_210] : memref<131072x128xf32, #tpu.memory_space<hbm>> -> memref<131072x128xf32, #tpu.memory_space<hbm>>
    tpu.enqueue_indirect_dma source(%dma_start3A_211 : memref<131072x128xf32, #tpu.memory_space<hbm>>) target(%arg9 : memref<192x128xf32, #tpu.memory_space<vmem>>) offsets(%arg7 : memref<192xi32, #tpu.memory_space<vmem>>) semaphore(%arg11 : memref<!tpu.dma_semaphore, #tpu.memory_space<semaphore_mem>>)
    %dma_wait3A = arith.constant 0 : i32
    %dma_wait3A_212 = arith.constant 0 : i32
    %dma_wait3A_213 = tpu.memref_slice %arg2[%dma_wait3A, %dma_wait3A_212] : memref<131072x128xf32, #tpu.memory_space<hbm>> -> memref<131072x128xf32, #tpu.memory_space<hbm>>
    tpu.wait_indirect_dma semaphore(%arg10 : memref<!tpu.dma_semaphore, #tpu.memory_space<semaphore_mem>>) src(%dma_wait3A_213 : memref<131072x128xf32, #tpu.memory_space<hbm>>) dst(%arg8 : memref<192x128xf32, #tpu.memory_space<vmem>>)
    %add3A_214 = arith.constant 0 : i32
    %add3A_215 = arith.addi %mul3A_2, %add3A_214 : i32
    %dma_start3A_216 = arith.constant 0 : i32
    %dma_start3A_217 = tpu.memref_slice %arg4[%add3A_215, %dma_start3A_216] : memref<49152x128xf32, #tpu.memory_space<hbm>> -> memref<192x128xf32, #tpu.memory_space<hbm>>
    %dma_start3A_218 = arith.constant 0 : i32
    %dma_start3A_219 = tpu.memref_slice %arg4[%add3A_215, %dma_start3A_218] : memref<49152x128xf32, #tpu.memory_space<hbm>> -> memref<192x128xf32, #tpu.memory_space<hbm>>
    tpu.enqueue_dma source(%arg8 : memref<192x128xf32, #tpu.memory_space<vmem>>) target(%dma_start3A_219 : memref<192x128xf32, #tpu.memory_space<hbm>>) target_semaphore(%arg12 : memref<!tpu.dma_semaphore, #tpu.memory_space<semaphore_mem>>)
    %dma_wait3A_220 = arith.constant 0 : i32
    %dma_wait3A_221 = tpu.memref_slice %arg4[%add3A_215, %dma_wait3A_220] : memref<49152x128xf32, #tpu.memory_space<hbm>> -> memref<192x128xf32, #tpu.memory_space<hbm>>
    %dma_wait3A_222 = arith.constant 0 : i32
    %dma_wait3A_223 = tpu.memref_slice %arg4[%add3A_215, %dma_wait3A_222] : memref<49152x128xf32, #tpu.memory_space<hbm>> -> memref<192x128xf32, #tpu.memory_space<hbm>>
    tpu.wait_dma2 semaphore(%arg12 : memref<!tpu.dma_semaphore, #tpu.memory_space<semaphore_mem>>) src(%arg8 : memref<192x128xf32, #tpu.memory_space<vmem>>) dst(%dma_wait3A_223 : memref<192x128xf32, #tpu.memory_space<hbm>>)
    %mul3A_224 = arith.constant 64 : i32
    %mul3A_225 = arith.muli %add3A, %mul3A_224 : i32
    %add3A_226 = arith.constant 16 : i32
    %add3A_227 = arith.addi %mul3A_225, %add3A_226 : i32
    %add3A_228 = arith.constant 0 : i32
    %add3A_229 = arith.addi %add3A_227, %add3A_228 : i32
    %mul3A_230 = arith.constant 64 : i32
    %mul3A_231 = arith.muli %add3A_229, %mul3A_230 : i32
    %add3A_232 = vector.broadcast %mul3A_231 : i32 to vector<16xi32>
    %add3A_233 = arith.addi %get3A_3, %add3A_232 : vector<16xi32>
    %swap3A_234 = arith.constant 0 : index
    %swap3A_235 = tpu.vector_load %arg6[%swap3A_234] {strides = array<i32>} : memref<192xi32, #tpu.memory_space<vmem>>, vector<16xi32>,
    tpu.vector_store %arg6[%swap3A_234], %add3A_233 {strides = array<i32>} : memref<192xi32, #tpu.memory_space<vmem>>, vector<16xi32>,
    %add3A_236 = arith.constant 0 : i32
    %add3A_237 = arith.addi %add3A_227, %add3A_236 : i32
    %mul3A_238 = arith.constant 64 : i32
    %mul3A_239 = arith.muli %add3A_237, %mul3A_238 : i32
    %add3A_240 = vector.broadcast %mul3A_239 : i32 to vector<16xi32>
    %add3A_241 = arith.addi %get3A_5, %add3A_240 : vector<16xi32>
    %swap3A_242 = arith.constant 16 : index
    %swap3A_243 = tpu.vector_load %arg6[%swap3A_242] {strides = array<i32>} : memref<192xi32, #tpu.memory_space<vmem>>, vector<16xi32>,
    tpu.vector_store %arg6[%swap3A_242], %add3A_241 {strides = array<i32>} : memref<192xi32, #tpu.memory_space<vmem>>, vector<16xi32>,
    %add3A_244 = arith.constant 0 : i32
    %add3A_245 = arith.addi %add3A_227, %add3A_244 : i32
    %mul3A_246 = arith.constant 64 : i32
    %mul3A_247 = arith.muli %add3A_245, %mul3A_246 : i32
    %add3A_248 = vector.broadcast %mul3A_247 : i32 to vector<16xi32>
    %add3A_249 = arith.addi %get3A_7, %add3A_248 : vector<16xi32>
    %swap3A_250 = arith.constant 32 : index
    %swap3A_251 = tpu.vector_load %arg6[%swap3A_250] {strides = array<i32>} : memref<192xi32, #tpu.memory_space<vmem>>, vector<16xi32>,
    tpu.vector_store %arg6[%swap3A_250], %add3A_249 {strides = array<i32>} : memref<192xi32, #tpu.memory_space<vmem>>, vector<16xi32>,
    %add3A_252 = arith.constant 2 : i32
    %add3A_253 = arith.addi %add3A_227, %add3A_252 : i32
    %mul3A_254 = arith.constant 64 : i32
    %mul3A_255 = arith.muli %add3A_253, %mul3A_254 : i32
    %add3A_256 = vector.broadcast %mul3A_255 : i32 to vector<16xi32>
    %add3A_257 = arith.addi %get3A_3, %add3A_256 : vector<16xi32>
    %swap3A_258 = arith.constant 48 : index
    %swap3A_259 = tpu.vector_load %arg6[%swap3A_258] {strides = array<i32>} : memref<192xi32, #tpu.memory_space<vmem>>, vector<16xi32>,
    tpu.vector_store %arg6[%swap3A_258], %add3A_257 {strides = array<i32>} : memref<192xi32, #tpu.memory_space<vmem>>, vector<16xi32>,
    %add3A_260 = arith.constant 2 : i32
    %add3A_261 = arith.addi %add3A_227, %add3A_260 : i32
    %mul3A_262 = arith.constant 64 : i32
    %mul3A_263 = arith.muli %add3A_261, %mul3A_262 : i32
    %add3A_264 = vector.broadcast %mul3A_263 : i32 to vector<16xi32>
    %add3A_265 = arith.addi %get3A_5, %add3A_264 : vector<16xi32>
    %swap3A_266 = arith.constant 64 : index
    %swap3A_267 = tpu.vector_load %arg6[%swap3A_266] {strides = array<i32>} : memref<192xi32, #tpu.memory_space<vmem>>, vector<16xi32>,
    tpu.vector_store %arg6[%swap3A_266], %add3A_265 {strides = array<i32>} : memref<192xi32, #tpu.memory_space<vmem>>, vector<16xi32>,
    %add3A_268 = arith.constant 2 : i32
    %add3A_269 = arith.addi %add3A_227, %add3A_268 : i32
    %mul3A_270 = arith.constant 64 : i32
    %mul3A_271 = arith.muli %add3A_269, %mul3A_270 : i32
    %add3A_272 = vector.broadcast %mul3A_271 : i32 to vector<16xi32>
    %add3A_273 = arith.addi %get3A_7, %add3A_272 : vector<16xi32>
    %swap3A_274 = arith.constant 80 : index
    %swap3A_275 = tpu.vector_load %arg6[%swap3A_274] {strides = array<i32>} : memref<192xi32, #tpu.memory_space<vmem>>, vector<16xi32>,
    tpu.vector_store %arg6[%swap3A_274], %add3A_273 {strides = array<i32>} : memref<192xi32, #tpu.memory_space<vmem>>, vector<16xi32>,
    %add3A_276 = arith.constant 4 : i32
    %add3A_277 = arith.addi %add3A_227, %add3A_276 : i32
    %mul3A_278 = arith.constant 64 : i32
    %mul3A_279 = arith.muli %add3A_277, %mul3A_278 : i32
    %add3A_280 = vector.broadcast %mul3A_279 : i32 to vector<16xi32>
    %add3A_281 = arith.addi %get3A_3, %add3A_280 : vector<16xi32>
    %swap3A_282 = arith.constant 96 : index
    %swap3A_283 = tpu.vector_load %arg6[%swap3A_282] {strides = array<i32>} : memref<192xi32, #tpu.memory_space<vmem>>, vector<16xi32>,
    tpu.vector_store %arg6[%swap3A_282], %add3A_281 {strides = array<i32>} : memref<192xi32, #tpu.memory_space<vmem>>, vector<16xi32>,
    %add3A_284 = arith.constant 4 : i32
    %add3A_285 = arith.addi %add3A_227, %add3A_284 : i32
    %mul3A_286 = arith.constant 64 : i32
    %mul3A_287 = arith.muli %add3A_285, %mul3A_286 : i32
    %add3A_288 = vector.broadcast %mul3A_287 : i32 to vector<16xi32>
    %add3A_289 = arith.addi %get3A_5, %add3A_288 : vector<16xi32>
    %swap3A_290 = arith.constant 112 : index
    %swap3A_291 = tpu.vector_load %arg6[%swap3A_290] {strides = array<i32>} : memref<192xi32, #tpu.memory_space<vmem>>, vector<16xi32>,
    tpu.vector_store %arg6[%swap3A_290], %add3A_289 {strides = array<i32>} : memref<192xi32, #tpu.memory_space<vmem>>, vector<16xi32>,
    %add3A_292 = arith.constant 4 : i32
    %add3A_293 = arith.addi %add3A_227, %add3A_292 : i32
    %mul3A_294 = arith.constant 64 : i32
    %mul3A_295 = arith.muli %add3A_293, %mul3A_294 : i32
    %add3A_296 = vector.broadcast %mul3A_295 : i32 to vector<16xi32>
    %add3A_297 = arith.addi %get3A_7, %add3A_296 : vector<16xi32>
    %swap3A_298 = arith.constant 128 : index
    %swap3A_299 = tpu.vector_load %arg6[%swap3A_298] {strides = array<i32>} : memref<192xi32, #tpu.memory_space<vmem>>, vector<16xi32>,
    tpu.vector_store %arg6[%swap3A_298], %add3A_297 {strides = array<i32>} : memref<192xi32, #tpu.memory_space<vmem>>, vector<16xi32>,
    %add3A_300 = arith.constant 6 : i32
    %add3A_301 = arith.addi %add3A_227, %add3A_300 : i32
    %mul3A_302 = arith.constant 64 : i32
    %mul3A_303 = arith.muli %add3A_301, %mul3A_302 : i32
    %add3A_304 = vector.broadcast %mul3A_303 : i32 to vector<16xi32>
    %add3A_305 = arith.addi %get3A_3, %add3A_304 : vector<16xi32>
    %swap3A_306 = arith.constant 144 : index
    %swap3A_307 = tpu.vector_load %arg6[%swap3A_306] {strides = array<i32>} : memref<192xi32, #tpu.memory_space<vmem>>, vector<16xi32>,
    tpu.vector_store %arg6[%swap3A_306], %add3A_305 {strides = array<i32>} : memref<192xi32, #tpu.memory_space<vmem>>, vector<16xi32>,
    %add3A_308 = arith.constant 6 : i32
    %add3A_309 = arith.addi %add3A_227, %add3A_308 : i32
    %mul3A_310 = arith.constant 64 : i32
    %mul3A_311 = arith.muli %add3A_309, %mul3A_310 : i32
    %add3A_312 = vector.broadcast %mul3A_311 : i32 to vector<16xi32>
    %add3A_313 = arith.addi %get3A_5, %add3A_312 : vector<16xi32>
    %swap3A_314 = arith.constant 160 : index
    %swap3A_315 = tpu.vector_load %arg6[%swap3A_314] {strides = array<i32>} : memref<192xi32, #tpu.memory_space<vmem>>, vector<16xi32>,
    tpu.vector_store %arg6[%swap3A_314], %add3A_313 {strides = array<i32>} : memref<192xi32, #tpu.memory_space<vmem>>, vector<16xi32>,
    %add3A_316 = arith.constant 6 : i32
    %add3A_317 = arith.addi %add3A_227, %add3A_316 : i32
    %mul3A_318 = arith.constant 64 : i32
    %mul3A_319 = arith.muli %add3A_317, %mul3A_318 : i32
    %add3A_320 = vector.broadcast %mul3A_319 : i32 to vector<16xi32>
    %add3A_321 = arith.addi %get3A_7, %add3A_320 : vector<16xi32>
    %swap3A_322 = arith.constant 176 : index
    %swap3A_323 = tpu.vector_load %arg6[%swap3A_322] {strides = array<i32>} : memref<192xi32, #tpu.memory_space<vmem>>, vector<16xi32>,
    tpu.vector_store %arg6[%swap3A_322], %add3A_321 {strides = array<i32>} : memref<192xi32, #tpu.memory_space<vmem>>, vector<16xi32>,
    %dma_start3A_324 = arith.constant 0 : i32
    %dma_start3A_325 = arith.constant 0 : i32
    %dma_start3A_326 = tpu.memref_slice %arg2[%dma_start3A_324, %dma_start3A_325] : memref<131072x128xf32, #tpu.memory_space<hbm>> -> memref<131072x128xf32, #tpu.memory_space<hbm>>
    tpu.enqueue_indirect_dma source(%dma_start3A_326 : memref<131072x128xf32, #tpu.memory_space<hbm>>) target(%arg8 : memref<192x128xf32, #tpu.memory_space<vmem>>) offsets(%arg6 : memref<192xi32, #tpu.memory_space<vmem>>) semaphore(%arg10 : memref<!tpu.dma_semaphore, #tpu.memory_space<semaphore_mem>>)
    %dma_wait3A_327 = arith.constant 0 : i32
    %dma_wait3A_328 = arith.constant 0 : i32
    %dma_wait3A_329 = tpu.memref_slice %arg2[%dma_wait3A_327, %dma_wait3A_328] : memref<131072x128xf32, #tpu.memory_space<hbm>> -> memref<131072x128xf32, #tpu.memory_space<hbm>>
    tpu.wait_indirect_dma semaphore(%arg11 : memref<!tpu.dma_semaphore, #tpu.memory_space<semaphore_mem>>) src(%dma_wait3A_329 : memref<131072x128xf32, #tpu.memory_space<hbm>>) dst(%arg9 : memref<192x128xf32, #tpu.memory_space<vmem>>)
    %add3A_330 = arith.constant 192 : i32
    %add3A_331 = arith.addi %mul3A_2, %add3A_330 : i32
    %dma_start3A_332 = arith.constant 0 : i32
    %dma_start3A_333 = tpu.memref_slice %arg4[%add3A_331, %dma_start3A_332] : memref<49152x128xf32, #tpu.memory_space<hbm>> -> memref<192x128xf32, #tpu.memory_space<hbm>>
    %dma_start3A_334 = arith.constant 0 : i32
    %dma_start3A_335 = tpu.memref_slice %arg4[%add3A_331, %dma_start3A_334] : memref<49152x128xf32, #tpu.memory_space<hbm>> -> memref<192x128xf32, #tpu.memory_space<hbm>>
    tpu.enqueue_dma source(%arg9 : memref<192x128xf32, #tpu.memory_space<vmem>>) target(%dma_start3A_335 : memref<192x128xf32, #tpu.memory_space<hbm>>) target_semaphore(%arg13 : memref<!tpu.dma_semaphore, #tpu.memory_space<semaphore_mem>>)
    %dma_wait3A_336 = arith.constant 0 : i32
    %dma_wait3A_337 = tpu.memref_slice %arg4[%add3A_331, %dma_wait3A_336] : memref<49152x128xf32, #tpu.memory_space<hbm>> -> memref<192x128xf32, #tpu.memory_space<hbm>>
    %dma_wait3A_338 = arith.constant 0 : i32
    %dma_wait3A_339 = tpu.memref_slice %arg4[%add3A_331, %dma_wait3A_338] : memref<49152x128xf32, #tpu.memory_space<hbm>> -> memref<192x128xf32, #tpu.memory_space<hbm>>
    tpu.wait_dma2 semaphore(%arg13 : memref<!tpu.dma_semaphore, #tpu.memory_space<semaphore_mem>>) src(%arg9 : memref<192x128xf32, #tpu.memory_space<vmem>>) dst(%dma_wait3A_339 : memref<192x128xf32, #tpu.memory_space<hbm>>)
    %mul3A_340 = arith.constant 64 : i32
    %mul3A_341 = arith.muli %add3A, %mul3A_340 : i32
    %add3A_342 = arith.constant 24 : i32
    %add3A_343 = arith.addi %mul3A_341, %add3A_342 : i32
    %add3A_344 = arith.constant 0 : i32
    %add3A_345 = arith.addi %add3A_343, %add3A_344 : i32
    %mul3A_346 = arith.constant 64 : i32
    %mul3A_347 = arith.muli %add3A_345, %mul3A_346 : i32
    %add3A_348 = vector.broadcast %mul3A_347 : i32 to vector<16xi32>
    %add3A_349 = arith.addi %get3A_3, %add3A_348 : vector<16xi32>
    %swap3A_350 = arith.constant 0 : index
    %swap3A_351 = tpu.vector_load %arg7[%swap3A_350] {strides = array<i32>} : memref<192xi32, #tpu.memory_space<vmem>>, vector<16xi32>,
    tpu.vector_store %arg7[%swap3A_350], %add3A_349 {strides = array<i32>} : memref<192xi32, #tpu.memory_space<vmem>>, vector<16xi32>,
    %add3A_352 = arith.constant 0 : i32
    %add3A_353 = arith.addi %add3A_343, %add3A_352 : i32
    %mul3A_354 = arith.constant 64 : i32
    %mul3A_355 = arith.muli %add3A_353, %mul3A_354 : i32
    %add3A_356 = vector.broadcast %mul3A_355 : i32 to vector<16xi32>
    %add3A_357 = arith.addi %get3A_5, %add3A_356 : vector<16xi32>
    %swap3A_358 = arith.constant 16 : index
    %swap3A_359 = tpu.vector_load %arg7[%swap3A_358] {strides = array<i32>} : memref<192xi32, #tpu.memory_space<vmem>>, vector<16xi32>,
    tpu.vector_store %arg7[%swap3A_358], %add3A_357 {strides = array<i32>} : memref<192xi32, #tpu.memory_space<vmem>>, vector<16xi32>,
    %add3A_360 = arith.constant 0 : i32
    %add3A_361 = arith.addi %add3A_343, %add3A_360 : i32
    %mul3A_362 = arith.constant 64 : i32
    %mul3A_363 = arith.muli %add3A_361, %mul3A_362 : i32
    %add3A_364 = vector.broadcast %mul3A_363 : i32 to vector<16xi32>
    %add3A_365 = arith.addi %get3A_7, %add3A_364 : vector<16xi32>
    %swap3A_366 = arith.constant 32 : index
    %swap3A_367 = tpu.vector_load %arg7[%swap3A_366] {strides = array<i32>} : memref<192xi32, #tpu.memory_space<vmem>>, vector<16xi32>,
    tpu.vector_store %arg7[%swap3A_366], %add3A_365 {strides = array<i32>} : memref<192xi32, #tpu.memory_space<vmem>>, vector<16xi32>,
    %add3A_368 = arith.constant 2 : i32
    %add3A_369 = arith.addi %add3A_343, %add3A_368 : i32
    %mul3A_370 = arith.constant 64 : i32
    %mul3A_371 = arith.muli %add3A_369, %mul3A_370 : i32
    %add3A_372 = vector.broadcast %mul3A_371 : i32 to vector<16xi32>
    %add3A_373 = arith.addi %get3A_3, %add3A_372 : vector<16xi32>
    %swap3A_374 = arith.constant 48 : index
    %swap3A_375 = tpu.vector_load %arg7[%swap3A_374] {strides = array<i32>} : memref<192xi32, #tpu.memory_space<vmem>>, vector<16xi32>,
    tpu.vector_store %arg7[%swap3A_374], %add3A_373 {strides = array<i32>} : memref<192xi32, #tpu.memory_space<vmem>>, vector<16xi32>,
    %add3A_376 = arith.constant 2 : i32
    %add3A_377 = arith.addi %add3A_343, %add3A_376 : i32
    %mul3A_378 = arith.constant 64 : i32
    %mul3A_379 = arith.muli %add3A_377, %mul3A_378 : i32
    %add3A_380 = vector.broadcast %mul3A_379 : i32 to vector<16xi32>
    %add3A_381 = arith.addi %get3A_5, %add3A_380 : vector<16xi32>
    %swap3A_382 = arith.constant 64 : index
    %swap3A_383 = tpu.vector_load %arg7[%swap3A_382] {strides = array<i32>} : memref<192xi32, #tpu.memory_space<vmem>>, vector<16xi32>,
    tpu.vector_store %arg7[%swap3A_382], %add3A_381 {strides = array<i32>} : memref<192xi32, #tpu.memory_space<vmem>>, vector<16xi32>,
    %add3A_384 = arith.constant 2 : i32
    %add3A_385 = arith.addi %add3A_343, %add3A_384 : i32
    %mul3A_386 = arith.constant 64 : i32
    %mul3A_387 = arith.muli %add3A_385, %mul3A_386 : i32
    %add3A_388 = vector.broadcast %mul3A_387 : i32 to vector<16xi32>
    %add3A_389 = arith.addi %get3A_7, %add3A_388 : vector<16xi32>
    %swap3A_390 = arith.constant 80 : index
    %swap3A_391 = tpu.vector_load %arg7[%swap3A_390] {strides = array<i32>} : memref<192xi32, #tpu.memory_space<vmem>>, vector<16xi32>,
    tpu.vector_store %arg7[%swap3A_390], %add3A_389 {strides = array<i32>} : memref<192xi32, #tpu.memory_space<vmem>>, vector<16xi32>,
    %add3A_392 = arith.constant 4 : i32
    %add3A_393 = arith.addi %add3A_343, %add3A_392 : i32
    %mul3A_394 = arith.constant 64 : i32
    %mul3A_395 = arith.muli %add3A_393, %mul3A_394 : i32
    %add3A_396 = vector.broadcast %mul3A_395 : i32 to vector<16xi32>
    %add3A_397 = arith.addi %get3A_3, %add3A_396 : vector<16xi32>
    %swap3A_398 = arith.constant 96 : index
    %swap3A_399 = tpu.vector_load %arg7[%swap3A_398] {strides = array<i32>} : memref<192xi32, #tpu.memory_space<vmem>>, vector<16xi32>,
    tpu.vector_store %arg7[%swap3A_398], %add3A_397 {strides = array<i32>} : memref<192xi32, #tpu.memory_space<vmem>>, vector<16xi32>,
    %add3A_400 = arith.constant 4 : i32
    %add3A_401 = arith.addi %add3A_343, %add3A_400 : i32
    %mul3A_402 = arith.constant 64 : i32
    %mul3A_403 = arith.muli %add3A_401, %mul3A_402 : i32
    %add3A_404 = vector.broadcast %mul3A_403 : i32 to vector<16xi32>
    %add3A_405 = arith.addi %get3A_5, %add3A_404 : vector<16xi32>
    %swap3A_406 = arith.constant 112 : index
    %swap3A_407 = tpu.vector_load %arg7[%swap3A_406] {strides = array<i32>} : memref<192xi32, #tpu.memory_space<vmem>>, vector<16xi32>,
    tpu.vector_store %arg7[%swap3A_406], %add3A_405 {strides = array<i32>} : memref<192xi32, #tpu.memory_space<vmem>>, vector<16xi32>,
    %add3A_408 = arith.constant 4 : i32
    %add3A_409 = arith.addi %add3A_343, %add3A_408 : i32
    %mul3A_410 = arith.constant 64 : i32
    %mul3A_411 = arith.muli %add3A_409, %mul3A_410 : i32
    %add3A_412 = vector.broadcast %mul3A_411 : i32 to vector<16xi32>
    %add3A_413 = arith.addi %get3A_7, %add3A_412 : vector<16xi32>
    %swap3A_414 = arith.constant 128 : index
    %swap3A_415 = tpu.vector_load %arg7[%swap3A_414] {strides = array<i32>} : memref<192xi32, #tpu.memory_space<vmem>>, vector<16xi32>,
    tpu.vector_store %arg7[%swap3A_414], %add3A_413 {strides = array<i32>} : memref<192xi32, #tpu.memory_space<vmem>>, vector<16xi32>,
    %add3A_416 = arith.constant 6 : i32
    %add3A_417 = arith.addi %add3A_343, %add3A_416 : i32
    %mul3A_418 = arith.constant 64 : i32
    %mul3A_419 = arith.muli %add3A_417, %mul3A_418 : i32
    %add3A_420 = vector.broadcast %mul3A_419 : i32 to vector<16xi32>
    %add3A_421 = arith.addi %get3A_3, %add3A_420 : vector<16xi32>
    %swap3A_422 = arith.constant 144 : index
    %swap3A_423 = tpu.vector_load %arg7[%swap3A_422] {strides = array<i32>} : memref<192xi32, #tpu.memory_space<vmem>>, vector<16xi32>,
    tpu.vector_store %arg7[%swap3A_422], %add3A_421 {strides = array<i32>} : memref<192xi32, #tpu.memory_space<vmem>>, vector<16xi32>,
    %add3A_424 = arith.constant 6 : i32
    %add3A_425 = arith.addi %add3A_343, %add3A_424 : i32
    %mul3A_426 = arith.constant 64 : i32
    %mul3A_427 = arith.muli %add3A_425, %mul3A_426 : i32
    %add3A_428 = vector.broadcast %mul3A_427 : i32 to vector<16xi32>
    %add3A_429 = arith.addi %get3A_5, %add3A_428 : vector<16xi32>
    %swap3A_430 = arith.constant 160 : index
    %swap3A_431 = tpu.vector_load %arg7[%swap3A_430] {strides = array<i32>} : memref<192xi32, #tpu.memory_space<vmem>>, vector<16xi32>,
    tpu.vector_store %arg7[%swap3A_430], %add3A_429 {strides = array<i32>} : memref<192xi32, #tpu.memory_space<vmem>>, vector<16xi32>,
    %add3A_432 = arith.constant 6 : i32
    %add3A_433 = arith.addi %add3A_343, %add3A_432 : i32
    %mul3A_434 = arith.constant 64 : i32
    %mul3A_435 = arith.muli %add3A_433, %mul3A_434 : i32
    %add3A_436 = vector.broadcast %mul3A_435 : i32 to vector<16xi32>
    %add3A_437 = arith.addi %get3A_7, %add3A_436 : vector<16xi32>
    %swap3A_438 = arith.constant 176 : index
    %swap3A_439 = tpu.vector_load %arg7[%swap3A_438] {strides = array<i32>} : memref<192xi32, #tpu.memory_space<vmem>>, vector<16xi32>,
    tpu.vector_store %arg7[%swap3A_438], %add3A_437 {strides = array<i32>} : memref<192xi32, #tpu.memory_space<vmem>>, vector<16xi32>,
    %dma_start3A_440 = arith.constant 0 : i32
    %dma_start3A_441 = arith.constant 0 : i32
    %dma_start3A_442 = tpu.memref_slice %arg2[%dma_start3A_440, %dma_start3A_441] : memref<131072x128xf32, #tpu.memory_space<hbm>> -> memref<131072x128xf32, #tpu.memory_space<hbm>>
    tpu.enqueue_indirect_dma source(%dma_start3A_442 : memref<131072x128xf32, #tpu.memory_space<hbm>>) target(%arg9 : memref<192x128xf32, #tpu.memory_space<vmem>>) offsets(%arg7 : memref<192xi32, #tpu.memory_space<vmem>>) semaphore(%arg11 : memref<!tpu.dma_semaphore, #tpu.memory_space<semaphore_mem>>)
    %dma_wait3A_443 = arith.constant 0 : i32
    %dma_wait3A_444 = arith.constant 0 : i32
    %dma_wait3A_445 = tpu.memref_slice %arg2[%dma_wait3A_443, %dma_wait3A_444] : memref<131072x128xf32, #tpu.memory_space<hbm>> -> memref<131072x128xf32, #tpu.memory_space<hbm>>
    tpu.wait_indirect_dma semaphore(%arg10 : memref<!tpu.dma_semaphore, #tpu.memory_space<semaphore_mem>>) src(%dma_wait3A_445 : memref<131072x128xf32, #tpu.memory_space<hbm>>) dst(%arg8 : memref<192x128xf32, #tpu.memory_space<vmem>>)
    %add3A_446 = arith.constant 384 : i32
    %add3A_447 = arith.addi %mul3A_2, %add3A_446 : i32
    %dma_start3A_448 = arith.constant 0 : i32
    %dma_start3A_449 = tpu.memref_slice %arg4[%add3A_447, %dma_start3A_448] : memref<49152x128xf32, #tpu.memory_space<hbm>> -> memref<192x128xf32, #tpu.memory_space<hbm>>
    %dma_start3A_450 = arith.constant 0 : i32
    %dma_start3A_451 = tpu.memref_slice %arg4[%add3A_447, %dma_start3A_450] : memref<49152x128xf32, #tpu.memory_space<hbm>> -> memref<192x128xf32, #tpu.memory_space<hbm>>
    tpu.enqueue_dma source(%arg8 : memref<192x128xf32, #tpu.memory_space<vmem>>) target(%dma_start3A_451 : memref<192x128xf32, #tpu.memory_space<hbm>>) target_semaphore(%arg12 : memref<!tpu.dma_semaphore, #tpu.memory_space<semaphore_mem>>)
    %dma_wait3A_452 = arith.constant 0 : i32
    %dma_wait3A_453 = tpu.memref_slice %arg4[%add3A_447, %dma_wait3A_452] : memref<49152x128xf32, #tpu.memory_space<hbm>> -> memref<192x128xf32, #tpu.memory_space<hbm>>
    %dma_wait3A_454 = arith.constant 0 : i32
    %dma_wait3A_455 = tpu.memref_slice %arg4[%add3A_447, %dma_wait3A_454] : memref<49152x128xf32, #tpu.memory_space<hbm>> -> memref<192x128xf32, #tpu.memory_space<hbm>>
    tpu.wait_dma2 semaphore(%arg12 : memref<!tpu.dma_semaphore, #tpu.memory_space<semaphore_mem>>) src(%arg8 : memref<192x128xf32, #tpu.memory_space<vmem>>) dst(%dma_wait3A_455 : memref<192x128xf32, #tpu.memory_space<hbm>>)
    %mul3A_456 = arith.constant 64 : i32
    %mul3A_457 = arith.muli %add3A, %mul3A_456 : i32
    %add3A_458 = arith.constant 32 : i32
    %add3A_459 = arith.addi %mul3A_457, %add3A_458 : i32
    %add3A_460 = arith.constant 0 : i32
    %add3A_461 = arith.addi %add3A_459, %add3A_460 : i32
    %mul3A_462 = arith.constant 64 : i32
    %mul3A_463 = arith.muli %add3A_461, %mul3A_462 : i32
    %add3A_464 = vector.broadcast %mul3A_463 : i32 to vector<16xi32>
    %add3A_465 = arith.addi %get3A_3, %add3A_464 : vector<16xi32>
    %swap3A_466 = arith.constant 0 : index
    %swap3A_467 = tpu.vector_load %arg6[%swap3A_466] {strides = array<i32>} : memref<192xi32, #tpu.memory_space<vmem>>, vector<16xi32>,
    tpu.vector_store %arg6[%swap3A_466], %add3A_465 {strides = array<i32>} : memref<192xi32, #tpu.memory_space<vmem>>, vector<16xi32>,
    %add3A_468 = arith.constant 0 : i32
    %add3A_469 = arith.addi %add3A_459, %add3A_468 : i32
    %mul3A_470 = arith.constant 64 : i32
    %mul3A_471 = arith.muli %add3A_469, %mul3A_470 : i32
    %add3A_472 = vector.broadcast %mul3A_471 : i32 to vector<16xi32>
    %add3A_473 = arith.addi %get3A_5, %add3A_472 : vector<16xi32>
    %swap3A_474 = arith.constant 16 : index
    %swap3A_475 = tpu.vector_load %arg6[%swap3A_474] {strides = array<i32>} : memref<192xi32, #tpu.memory_space<vmem>>, vector<16xi32>,
    tpu.vector_store %arg6[%swap3A_474], %add3A_473 {strides = array<i32>} : memref<192xi32, #tpu.memory_space<vmem>>, vector<16xi32>,
    %add3A_476 = arith.constant 0 : i32
    %add3A_477 = arith.addi %add3A_459, %add3A_476 : i32
    %mul3A_478 = arith.constant 64 : i32
    %mul3A_479 = arith.muli %add3A_477, %mul3A_478 : i32
    %add3A_480 = vector.broadcast %mul3A_479 : i32 to vector<16xi32>
    %add3A_481 = arith.addi %get3A_7, %add3A_480 : vector<16xi32>
    %swap3A_482 = arith.constant 32 : index
    %swap3A_483 = tpu.vector_load %arg6[%swap3A_482] {strides = array<i32>} : memref<192xi32, #tpu.memory_space<vmem>>, vector<16xi32>,
    tpu.vector_store %arg6[%swap3A_482], %add3A_481 {strides = array<i32>} : memref<192xi32, #tpu.memory_space<vmem>>, vector<16xi32>,
    %add3A_484 = arith.constant 2 : i32
    %add3A_485 = arith.addi %add3A_459, %add3A_484 : i32
    %mul3A_486 = arith.constant 64 : i32
    %mul3A_487 = arith.muli %add3A_485, %mul3A_486 : i32
    %add3A_488 = vector.broadcast %mul3A_487 : i32 to vector<16xi32>
    %add3A_489 = arith.addi %get3A_3, %add3A_488 : vector<16xi32>
    %swap3A_490 = arith.constant 48 : index
    %swap3A_491 = tpu.vector_load %arg6[%swap3A_490] {strides = array<i32>} : memref<192xi32, #tpu.memory_space<vmem>>, vector<16xi32>,
    tpu.vector_store %arg6[%swap3A_490], %add3A_489 {strides = array<i32>} : memref<192xi32, #tpu.memory_space<vmem>>, vector<16xi32>,
    %add3A_492 = arith.constant 2 : i32
    %add3A_493 = arith.addi %add3A_459, %add3A_492 : i32
    %mul3A_494 = arith.constant 64 : i32
    %mul3A_495 = arith.muli %add3A_493, %mul3A_494 : i32
    %add3A_496 = vector.broadcast %mul3A_495 : i32 to vector<16xi32>
    %add3A_497 = arith.addi %get3A_5, %add3A_496 : vector<16xi32>
    %swap3A_498 = arith.constant 64 : index
    %swap3A_499 = tpu.vector_load %arg6[%swap3A_498] {strides = array<i32>} : memref<192xi32, #tpu.memory_space<vmem>>, vector<16xi32>,
    tpu.vector_store %arg6[%swap3A_498], %add3A_497 {strides = array<i32>} : memref<192xi32, #tpu.memory_space<vmem>>, vector<16xi32>,
    %add3A_500 = arith.constant 2 : i32
    %add3A_501 = arith.addi %add3A_459, %add3A_500 : i32
    %mul3A_502 = arith.constant 64 : i32
    %mul3A_503 = arith.muli %add3A_501, %mul3A_502 : i32
    %add3A_504 = vector.broadcast %mul3A_503 : i32 to vector<16xi32>
    %add3A_505 = arith.addi %get3A_7, %add3A_504 : vector<16xi32>
    %swap3A_506 = arith.constant 80 : index
    %swap3A_507 = tpu.vector_load %arg6[%swap3A_506] {strides = array<i32>} : memref<192xi32, #tpu.memory_space<vmem>>, vector<16xi32>,
    tpu.vector_store %arg6[%swap3A_506], %add3A_505 {strides = array<i32>} : memref<192xi32, #tpu.memory_space<vmem>>, vector<16xi32>,
    %add3A_508 = arith.constant 4 : i32
    %add3A_509 = arith.addi %add3A_459, %add3A_508 : i32
    %mul3A_510 = arith.constant 64 : i32
    %mul3A_511 = arith.muli %add3A_509, %mul3A_510 : i32
    %add3A_512 = vector.broadcast %mul3A_511 : i32 to vector<16xi32>
    %add3A_513 = arith.addi %get3A_3, %add3A_512 : vector<16xi32>
    %swap3A_514 = arith.constant 96 : index
    %swap3A_515 = tpu.vector_load %arg6[%swap3A_514] {strides = array<i32>} : memref<192xi32, #tpu.memory_space<vmem>>, vector<16xi32>,
    tpu.vector_store %arg6[%swap3A_514], %add3A_513 {strides = array<i32>} : memref<192xi32, #tpu.memory_space<vmem>>, vector<16xi32>,
    %add3A_516 = arith.constant 4 : i32
    %add3A_517 = arith.addi %add3A_459, %add3A_516 : i32
    %mul3A_518 = arith.constant 64 : i32
    %mul3A_519 = arith.muli %add3A_517, %mul3A_518 : i32
    %add3A_520 = vector.broadcast %mul3A_519 : i32 to vector<16xi32>
    %add3A_521 = arith.addi %get3A_5, %add3A_520 : vector<16xi32>
    %swap3A_522 = arith.constant 112 : index
    %swap3A_523 = tpu.vector_load %arg6[%swap3A_522] {strides = array<i32>} : memref<192xi32, #tpu.memory_space<vmem>>, vector<16xi32>,
    tpu.vector_store %arg6[%swap3A_522], %add3A_521 {strides = array<i32>} : memref<192xi32, #tpu.memory_space<vmem>>, vector<16xi32>,
    %add3A_524 = arith.constant 4 : i32
    %add3A_525 = arith.addi %add3A_459, %add3A_524 : i32
    %mul3A_526 = arith.constant 64 : i32
    %mul3A_527 = arith.muli %add3A_525, %mul3A_526 : i32
    %add3A_528 = vector.broadcast %mul3A_527 : i32 to vector<16xi32>
    %add3A_529 = arith.addi %get3A_7, %add3A_528 : vector<16xi32>
    %swap3A_530 = arith.constant 128 : index
    %swap3A_531 = tpu.vector_load %arg6[%swap3A_530] {strides = array<i32>} : memref<192xi32, #tpu.memory_space<vmem>>, vector<16xi32>,
    tpu.vector_store %arg6[%swap3A_530], %add3A_529 {strides = array<i32>} : memref<192xi32, #tpu.memory_space<vmem>>, vector<16xi32>,
    %add3A_532 = arith.constant 6 : i32
    %add3A_533 = arith.addi %add3A_459, %add3A_532 : i32
    %mul3A_534 = arith.constant 64 : i32
    %mul3A_535 = arith.muli %add3A_533, %mul3A_534 : i32
    %add3A_536 = vector.broadcast %mul3A_535 : i32 to vector<16xi32>
    %add3A_537 = arith.addi %get3A_3, %add3A_536 : vector<16xi32>
    %swap3A_538 = arith.constant 144 : index
    %swap3A_539 = tpu.vector_load %arg6[%swap3A_538] {strides = array<i32>} : memref<192xi32, #tpu.memory_space<vmem>>, vector<16xi32>,
    tpu.vector_store %arg6[%swap3A_538], %add3A_537 {strides = array<i32>} : memref<192xi32, #tpu.memory_space<vmem>>, vector<16xi32>,
    %add3A_540 = arith.constant 6 : i32
    %add3A_541 = arith.addi %add3A_459, %add3A_540 : i32
    %mul3A_542 = arith.constant 64 : i32
    %mul3A_543 = arith.muli %add3A_541, %mul3A_542 : i32
    %add3A_544 = vector.broadcast %mul3A_543 : i32 to vector<16xi32>
    %add3A_545 = arith.addi %get3A_5, %add3A_544 : vector<16xi32>
    %swap3A_546 = arith.constant 160 : index
    %swap3A_547 = tpu.vector_load %arg6[%swap3A_546] {strides = array<i32>} : memref<192xi32, #tpu.memory_space<vmem>>, vector<16xi32>,
    tpu.vector_store %arg6[%swap3A_546], %add3A_545 {strides = array<i32>} : memref<192xi32, #tpu.memory_space<vmem>>, vector<16xi32>,
    %add3A_548 = arith.constant 6 : i32
    %add3A_549 = arith.addi %add3A_459, %add3A_548 : i32
    %mul3A_550 = arith.constant 64 : i32
    %mul3A_551 = arith.muli %add3A_549, %mul3A_550 : i32
    %add3A_552 = vector.broadcast %mul3A_551 : i32 to vector<16xi32>
    %add3A_553 = arith.addi %get3A_7, %add3A_552 : vector<16xi32>
    %swap3A_554 = arith.constant 176 : index
    %swap3A_555 = tpu.vector_load %arg6[%swap3A_554] {strides = array<i32>} : memref<192xi32, #tpu.memory_space<vmem>>, vector<16xi32>,
    tpu.vector_store %arg6[%swap3A_554], %add3A_553 {strides = array<i32>} : memref<192xi32, #tpu.memory_space<vmem>>, vector<16xi32>,
    %dma_start3A_556 = arith.constant 0 : i32
    %dma_start3A_557 = arith.constant 0 : i32
    %dma_start3A_558 = tpu.memref_slice %arg2[%dma_start3A_556, %dma_start3A_557] : memref<131072x128xf32, #tpu.memory_space<hbm>> -> memref<131072x128xf32, #tpu.memory_space<hbm>>
    tpu.enqueue_indirect_dma source(%dma_start3A_558 : memref<131072x128xf32, #tpu.memory_space<hbm>>) target(%arg8 : memref<192x128xf32, #tpu.memory_space<vmem>>) offsets(%arg6 : memref<192xi32, #tpu.memory_space<vmem>>) semaphore(%arg10 : memref<!tpu.dma_semaphore, #tpu.memory_space<semaphore_mem>>)
    %dma_wait3A_559 = arith.constant 0 : i32
    %dma_wait3A_560 = arith.constant 0 : i32
    %dma_wait3A_561 = tpu.memref_slice %arg2[%dma_wait3A_559, %dma_wait3A_560] : memref<131072x128xf32, #tpu.memory_space<hbm>> -> memref<131072x128xf32, #tpu.memory_space<hbm>>
    tpu.wait_indirect_dma semaphore(%arg11 : memref<!tpu.dma_semaphore, #tpu.memory_space<semaphore_mem>>) src(%dma_wait3A_561 : memref<131072x128xf32, #tpu.memory_space<hbm>>) dst(%arg9 : memref<192x128xf32, #tpu.memory_space<vmem>>)
    %add3A_562 = arith.constant 576 : i32
    %add3A_563 = arith.addi %mul3A_2, %add3A_562 : i32
    %dma_start3A_564 = arith.constant 0 : i32
    %dma_start3A_565 = tpu.memref_slice %arg4[%add3A_563, %dma_start3A_564] : memref<49152x128xf32, #tpu.memory_space<hbm>> -> memref<192x128xf32, #tpu.memory_space<hbm>>
    %dma_start3A_566 = arith.constant 0 : i32
    %dma_start3A_567 = tpu.memref_slice %arg4[%add3A_563, %dma_start3A_566] : memref<49152x128xf32, #tpu.memory_space<hbm>> -> memref<192x128xf32, #tpu.memory_space<hbm>>
    tpu.enqueue_dma source(%arg9 : memref<192x128xf32, #tpu.memory_space<vmem>>) target(%dma_start3A_567 : memref<192x128xf32, #tpu.memory_space<hbm>>) target_semaphore(%arg13 : memref<!tpu.dma_semaphore, #tpu.memory_space<semaphore_mem>>)
    %dma_wait3A_568 = arith.constant 0 : i32
    %dma_wait3A_569 = tpu.memref_slice %arg4[%add3A_563, %dma_wait3A_568] : memref<49152x128xf32, #tpu.memory_space<hbm>> -> memref<192x128xf32, #tpu.memory_space<hbm>>
    %dma_wait3A_570 = arith.constant 0 : i32
    %dma_wait3A_571 = tpu.memref_slice %arg4[%add3A_563, %dma_wait3A_570] : memref<49152x128xf32, #tpu.memory_space<hbm>> -> memref<192x128xf32, #tpu.memory_space<hbm>>
    tpu.wait_dma2 semaphore(%arg13 : memref<!tpu.dma_semaphore, #tpu.memory_space<semaphore_mem>>) src(%arg9 : memref<192x128xf32, #tpu.memory_space<vmem>>) dst(%dma_wait3A_571 : memref<192x128xf32, #tpu.memory_space<hbm>>)
    %mul3A_572 = arith.constant 64 : i32
    %mul3A_573 = arith.muli %add3A, %mul3A_572 : i32
    %add3A_574 = arith.constant 40 : i32
    %add3A_575 = arith.addi %mul3A_573, %add3A_574 : i32
    %add3A_576 = arith.constant 0 : i32
    %add3A_577 = arith.addi %add3A_575, %add3A_576 : i32
    %mul3A_578 = arith.constant 64 : i32
    %mul3A_579 = arith.muli %add3A_577, %mul3A_578 : i32
    %add3A_580 = vector.broadcast %mul3A_579 : i32 to vector<16xi32>
    %add3A_581 = arith.addi %get3A_3, %add3A_580 : vector<16xi32>
    %swap3A_582 = arith.constant 0 : index
    %swap3A_583 = tpu.vector_load %arg7[%swap3A_582] {strides = array<i32>} : memref<192xi32, #tpu.memory_space<vmem>>, vector<16xi32>,
    tpu.vector_store %arg7[%swap3A_582], %add3A_581 {strides = array<i32>} : memref<192xi32, #tpu.memory_space<vmem>>, vector<16xi32>,
    %add3A_584 = arith.constant 0 : i32
    %add3A_585 = arith.addi %add3A_575, %add3A_584 : i32
    %mul3A_586 = arith.constant 64 : i32
    %mul3A_587 = arith.muli %add3A_585, %mul3A_586 : i32
    %add3A_588 = vector.broadcast %mul3A_587 : i32 to vector<16xi32>
    %add3A_589 = arith.addi %get3A_5, %add3A_588 : vector<16xi32>
    %swap3A_590 = arith.constant 16 : index
    %swap3A_591 = tpu.vector_load %arg7[%swap3A_590] {strides = array<i32>} : memref<192xi32, #tpu.memory_space<vmem>>, vector<16xi32>,
    tpu.vector_store %arg7[%swap3A_590], %add3A_589 {strides = array<i32>} : memref<192xi32, #tpu.memory_space<vmem>>, vector<16xi32>,
    %add3A_592 = arith.constant 0 : i32
    %add3A_593 = arith.addi %add3A_575, %add3A_592 : i32
    %mul3A_594 = arith.constant 64 : i32
    %mul3A_595 = arith.muli %add3A_593, %mul3A_594 : i32
    %add3A_596 = vector.broadcast %mul3A_595 : i32 to vector<16xi32>
    %add3A_597 = arith.addi %get3A_7, %add3A_596 : vector<16xi32>
    %swap3A_598 = arith.constant 32 : index
    %swap3A_599 = tpu.vector_load %arg7[%swap3A_598] {strides = array<i32>} : memref<192xi32, #tpu.memory_space<vmem>>, vector<16xi32>,
    tpu.vector_store %arg7[%swap3A_598], %add3A_597 {strides = array<i32>} : memref<192xi32, #tpu.memory_space<vmem>>, vector<16xi32>,
    %add3A_600 = arith.constant 2 : i32
    %add3A_601 = arith.addi %add3A_575, %add3A_600 : i32
    %mul3A_602 = arith.constant 64 : i32
    %mul3A_603 = arith.muli %add3A_601, %mul3A_602 : i32
    %add3A_604 = vector.broadcast %mul3A_603 : i32 to vector<16xi32>
    %add3A_605 = arith.addi %get3A_3, %add3A_604 : vector<16xi32>
    %swap3A_606 = arith.constant 48 : index
    %swap3A_607 = tpu.vector_load %arg7[%swap3A_606] {strides = array<i32>} : memref<192xi32, #tpu.memory_space<vmem>>, vector<16xi32>,
    tpu.vector_store %arg7[%swap3A_606], %add3A_605 {strides = array<i32>} : memref<192xi32, #tpu.memory_space<vmem>>, vector<16xi32>,
    %add3A_608 = arith.constant 2 : i32
    %add3A_609 = arith.addi %add3A_575, %add3A_608 : i32
    %mul3A_610 = arith.constant 64 : i32
    %mul3A_611 = arith.muli %add3A_609, %mul3A_610 : i32
    %add3A_612 = vector.broadcast %mul3A_611 : i32 to vector<16xi32>
    %add3A_613 = arith.addi %get3A_5, %add3A_612 : vector<16xi32>
    %swap3A_614 = arith.constant 64 : index
    %swap3A_615 = tpu.vector_load %arg7[%swap3A_614] {strides = array<i32>} : memref<192xi32, #tpu.memory_space<vmem>>, vector<16xi32>,
    tpu.vector_store %arg7[%swap3A_614], %add3A_613 {strides = array<i32>} : memref<192xi32, #tpu.memory_space<vmem>>, vector<16xi32>,
    %add3A_616 = arith.constant 2 : i32
    %add3A_617 = arith.addi %add3A_575, %add3A_616 : i32
    %mul3A_618 = arith.constant 64 : i32
    %mul3A_619 = arith.muli %add3A_617, %mul3A_618 : i32
    %add3A_620 = vector.broadcast %mul3A_619 : i32 to vector<16xi32>
    %add3A_621 = arith.addi %get3A_7, %add3A_620 : vector<16xi32>
    %swap3A_622 = arith.constant 80 : index
    %swap3A_623 = tpu.vector_load %arg7[%swap3A_622] {strides = array<i32>} : memref<192xi32, #tpu.memory_space<vmem>>, vector<16xi32>,
    tpu.vector_store %arg7[%swap3A_622], %add3A_621 {strides = array<i32>} : memref<192xi32, #tpu.memory_space<vmem>>, vector<16xi32>,
    %add3A_624 = arith.constant 4 : i32
    %add3A_625 = arith.addi %add3A_575, %add3A_624 : i32
    %mul3A_626 = arith.constant 64 : i32
    %mul3A_627 = arith.muli %add3A_625, %mul3A_626 : i32
    %add3A_628 = vector.broadcast %mul3A_627 : i32 to vector<16xi32>
    %add3A_629 = arith.addi %get3A_3, %add3A_628 : vector<16xi32>
    %swap3A_630 = arith.constant 96 : index
    %swap3A_631 = tpu.vector_load %arg7[%swap3A_630] {strides = array<i32>} : memref<192xi32, #tpu.memory_space<vmem>>, vector<16xi32>,
    tpu.vector_store %arg7[%swap3A_630], %add3A_629 {strides = array<i32>} : memref<192xi32, #tpu.memory_space<vmem>>, vector<16xi32>,
    %add3A_632 = arith.constant 4 : i32
    %add3A_633 = arith.addi %add3A_575, %add3A_632 : i32
    %mul3A_634 = arith.constant 64 : i32
    %mul3A_635 = arith.muli %add3A_633, %mul3A_634 : i32
    %add3A_636 = vector.broadcast %mul3A_635 : i32 to vector<16xi32>
    %add3A_637 = arith.addi %get3A_5, %add3A_636 : vector<16xi32>
    %swap3A_638 = arith.constant 112 : index
    %swap3A_639 = tpu.vector_load %arg7[%swap3A_638] {strides = array<i32>} : memref<192xi32, #tpu.memory_space<vmem>>, vector<16xi32>,
    tpu.vector_store %arg7[%swap3A_638], %add3A_637 {strides = array<i32>} : memref<192xi32, #tpu.memory_space<vmem>>, vector<16xi32>,
    %add3A_640 = arith.constant 4 : i32
    %add3A_641 = arith.addi %add3A_575, %add3A_640 : i32
    %mul3A_642 = arith.constant 64 : i32
    %mul3A_643 = arith.muli %add3A_641, %mul3A_642 : i32
    %add3A_644 = vector.broadcast %mul3A_643 : i32 to vector<16xi32>
    %add3A_645 = arith.addi %get3A_7, %add3A_644 : vector<16xi32>
    %swap3A_646 = arith.constant 128 : index
    %swap3A_647 = tpu.vector_load %arg7[%swap3A_646] {strides = array<i32>} : memref<192xi32, #tpu.memory_space<vmem>>, vector<16xi32>,
    tpu.vector_store %arg7[%swap3A_646], %add3A_645 {strides = array<i32>} : memref<192xi32, #tpu.memory_space<vmem>>, vector<16xi32>,
    %add3A_648 = arith.constant 6 : i32
    %add3A_649 = arith.addi %add3A_575, %add3A_648 : i32
    %mul3A_650 = arith.constant 64 : i32
    %mul3A_651 = arith.muli %add3A_649, %mul3A_650 : i32
    %add3A_652 = vector.broadcast %mul3A_651 : i32 to vector<16xi32>
    %add3A_653 = arith.addi %get3A_3, %add3A_652 : vector<16xi32>
    %swap3A_654 = arith.constant 144 : index
    %swap3A_655 = tpu.vector_load %arg7[%swap3A_654] {strides = array<i32>} : memref<192xi32, #tpu.memory_space<vmem>>, vector<16xi32>,
    tpu.vector_store %arg7[%swap3A_654], %add3A_653 {strides = array<i32>} : memref<192xi32, #tpu.memory_space<vmem>>, vector<16xi32>,
    %add3A_656 = arith.constant 6 : i32
    %add3A_657 = arith.addi %add3A_575, %add3A_656 : i32
    %mul3A_658 = arith.constant 64 : i32
    %mul3A_659 = arith.muli %add3A_657, %mul3A_658 : i32
    %add3A_660 = vector.broadcast %mul3A_659 : i32 to vector<16xi32>
    %add3A_661 = arith.addi %get3A_5, %add3A_660 : vector<16xi32>
    %swap3A_662 = arith.constant 160 : index
    %swap3A_663 = tpu.vector_load %arg7[%swap3A_662] {strides = array<i32>} : memref<192xi32, #tpu.memory_space<vmem>>, vector<16xi32>,
    tpu.vector_store %arg7[%swap3A_662], %add3A_661 {strides = array<i32>} : memref<192xi32, #tpu.memory_space<vmem>>, vector<16xi32>,
    %add3A_664 = arith.constant 6 : i32
    %add3A_665 = arith.addi %add3A_575, %add3A_664 : i32
    %mul3A_666 = arith.constant 64 : i32
    %mul3A_667 = arith.muli %add3A_665, %mul3A_666 : i32
    %add3A_668 = vector.broadcast %mul3A_667 : i32 to vector<16xi32>
    %add3A_669 = arith.addi %get3A_7, %add3A_668 : vector<16xi32>
    %swap3A_670 = arith.constant 176 : index
    %swap3A_671 = tpu.vector_load %arg7[%swap3A_670] {strides = array<i32>} : memref<192xi32, #tpu.memory_space<vmem>>, vector<16xi32>,
    tpu.vector_store %arg7[%swap3A_670], %add3A_669 {strides = array<i32>} : memref<192xi32, #tpu.memory_space<vmem>>, vector<16xi32>,
    %dma_start3A_672 = arith.constant 0 : i32
    %dma_start3A_673 = arith.constant 0 : i32
    %dma_start3A_674 = tpu.memref_slice %arg2[%dma_start3A_672, %dma_start3A_673] : memref<131072x128xf32, #tpu.memory_space<hbm>> -> memref<131072x128xf32, #tpu.memory_space<hbm>>
    tpu.enqueue_indirect_dma source(%dma_start3A_674 : memref<131072x128xf32, #tpu.memory_space<hbm>>) target(%arg9 : memref<192x128xf32, #tpu.memory_space<vmem>>) offsets(%arg7 : memref<192xi32, #tpu.memory_space<vmem>>) semaphore(%arg11 : memref<!tpu.dma_semaphore, #tpu.memory_space<semaphore_mem>>)
    %dma_wait3A_675 = arith.constant 0 : i32
    %dma_wait3A_676 = arith.constant 0 : i32
    %dma_wait3A_677 = tpu.memref_slice %arg2[%dma_wait3A_675, %dma_wait3A_676] : memref<131072x128xf32, #tpu.memory_space<hbm>> -> memref<131072x128xf32, #tpu.memory_space<hbm>>
    tpu.wait_indirect_dma semaphore(%arg10 : memref<!tpu.dma_semaphore, #tpu.memory_space<semaphore_mem>>) src(%dma_wait3A_677 : memref<131072x128xf32, #tpu.memory_space<hbm>>) dst(%arg8 : memref<192x128xf32, #tpu.memory_space<vmem>>)
    %add3A_678 = arith.constant 768 : i32
    %add3A_679 = arith.addi %mul3A_2, %add3A_678 : i32
    %dma_start3A_680 = arith.constant 0 : i32
    %dma_start3A_681 = tpu.memref_slice %arg4[%add3A_679, %dma_start3A_680] : memref<49152x128xf32, #tpu.memory_space<hbm>> -> memref<192x128xf32, #tpu.memory_space<hbm>>
    %dma_start3A_682 = arith.constant 0 : i32
    %dma_start3A_683 = tpu.memref_slice %arg4[%add3A_679, %dma_start3A_682] : memref<49152x128xf32, #tpu.memory_space<hbm>> -> memref<192x128xf32, #tpu.memory_space<hbm>>
    tpu.enqueue_dma source(%arg8 : memref<192x128xf32, #tpu.memory_space<vmem>>) target(%dma_start3A_683 : memref<192x128xf32, #tpu.memory_space<hbm>>) target_semaphore(%arg12 : memref<!tpu.dma_semaphore, #tpu.memory_space<semaphore_mem>>)
    %dma_wait3A_684 = arith.constant 0 : i32
    %dma_wait3A_685 = tpu.memref_slice %arg4[%add3A_679, %dma_wait3A_684] : memref<49152x128xf32, #tpu.memory_space<hbm>> -> memref<192x128xf32, #tpu.memory_space<hbm>>
    %dma_wait3A_686 = arith.constant 0 : i32
    %dma_wait3A_687 = tpu.memref_slice %arg4[%add3A_679, %dma_wait3A_686] : memref<49152x128xf32, #tpu.memory_space<hbm>> -> memref<192x128xf32, #tpu.memory_space<hbm>>
    tpu.wait_dma2 semaphore(%arg12 : memref<!tpu.dma_semaphore, #tpu.memory_space<semaphore_mem>>) src(%arg8 : memref<192x128xf32, #tpu.memory_space<vmem>>) dst(%dma_wait3A_687 : memref<192x128xf32, #tpu.memory_space<hbm>>)
    %mul3A_688 = arith.constant 64 : i32
    %mul3A_689 = arith.muli %add3A, %mul3A_688 : i32
    %add3A_690 = arith.constant 48 : i32
    %add3A_691 = arith.addi %mul3A_689, %add3A_690 : i32
    %add3A_692 = arith.constant 0 : i32
    %add3A_693 = arith.addi %add3A_691, %add3A_692 : i32
    %mul3A_694 = arith.constant 64 : i32
    %mul3A_695 = arith.muli %add3A_693, %mul3A_694 : i32
    %add3A_696 = vector.broadcast %mul3A_695 : i32 to vector<16xi32>
    %add3A_697 = arith.addi %get3A_3, %add3A_696 : vector<16xi32>
    %swap3A_698 = arith.constant 0 : index
    %swap3A_699 = tpu.vector_load %arg6[%swap3A_698] {strides = array<i32>} : memref<192xi32, #tpu.memory_space<vmem>>, vector<16xi32>,
    tpu.vector_store %arg6[%swap3A_698], %add3A_697 {strides = array<i32>} : memref<192xi32, #tpu.memory_space<vmem>>, vector<16xi32>,
    %add3A_700 = arith.constant 0 : i32
    %add3A_701 = arith.addi %add3A_691, %add3A_700 : i32
    %mul3A_702 = arith.constant 64 : i32
    %mul3A_703 = arith.muli %add3A_701, %mul3A_702 : i32
    %add3A_704 = vector.broadcast %mul3A_703 : i32 to vector<16xi32>
    %add3A_705 = arith.addi %get3A_5, %add3A_704 : vector<16xi32>
    %swap3A_706 = arith.constant 16 : index
    %swap3A_707 = tpu.vector_load %arg6[%swap3A_706] {strides = array<i32>} : memref<192xi32, #tpu.memory_space<vmem>>, vector<16xi32>,
    tpu.vector_store %arg6[%swap3A_706], %add3A_705 {strides = array<i32>} : memref<192xi32, #tpu.memory_space<vmem>>, vector<16xi32>,
    %add3A_708 = arith.constant 0 : i32
    %add3A_709 = arith.addi %add3A_691, %add3A_708 : i32
    %mul3A_710 = arith.constant 64 : i32
    %mul3A_711 = arith.muli %add3A_709, %mul3A_710 : i32
    %add3A_712 = vector.broadcast %mul3A_711 : i32 to vector<16xi32>
    %add3A_713 = arith.addi %get3A_7, %add3A_712 : vector<16xi32>
    %swap3A_714 = arith.constant 32 : index
    %swap3A_715 = tpu.vector_load %arg6[%swap3A_714] {strides = array<i32>} : memref<192xi32, #tpu.memory_space<vmem>>, vector<16xi32>,
    tpu.vector_store %arg6[%swap3A_714], %add3A_713 {strides = array<i32>} : memref<192xi32, #tpu.memory_space<vmem>>, vector<16xi32>,
    %add3A_716 = arith.constant 2 : i32
    %add3A_717 = arith.addi %add3A_691, %add3A_716 : i32
    %mul3A_718 = arith.constant 64 : i32
    %mul3A_719 = arith.muli %add3A_717, %mul3A_718 : i32
    %add3A_720 = vector.broadcast %mul3A_719 : i32 to vector<16xi32>
    %add3A_721 = arith.addi %get3A_3, %add3A_720 : vector<16xi32>
    %swap3A_722 = arith.constant 48 : index
    %swap3A_723 = tpu.vector_load %arg6[%swap3A_722] {strides = array<i32>} : memref<192xi32, #tpu.memory_space<vmem>>, vector<16xi32>,
    tpu.vector_store %arg6[%swap3A_722], %add3A_721 {strides = array<i32>} : memref<192xi32, #tpu.memory_space<vmem>>, vector<16xi32>,
    %add3A_724 = arith.constant 2 : i32
    %add3A_725 = arith.addi %add3A_691, %add3A_724 : i32
    %mul3A_726 = arith.constant 64 : i32
    %mul3A_727 = arith.muli %add3A_725, %mul3A_726 : i32
    %add3A_728 = vector.broadcast %mul3A_727 : i32 to vector<16xi32>
    %add3A_729 = arith.addi %get3A_5, %add3A_728 : vector<16xi32>
    %swap3A_730 = arith.constant 64 : index
    %swap3A_731 = tpu.vector_load %arg6[%swap3A_730] {strides = array<i32>} : memref<192xi32, #tpu.memory_space<vmem>>, vector<16xi32>,
    tpu.vector_store %arg6[%swap3A_730], %add3A_729 {strides = array<i32>} : memref<192xi32, #tpu.memory_space<vmem>>, vector<16xi32>,
    %add3A_732 = arith.constant 2 : i32
    %add3A_733 = arith.addi %add3A_691, %add3A_732 : i32
    %mul3A_734 = arith.constant 64 : i32
    %mul3A_735 = arith.muli %add3A_733, %mul3A_734 : i32
    %add3A_736 = vector.broadcast %mul3A_735 : i32 to vector<16xi32>
    %add3A_737 = arith.addi %get3A_7, %add3A_736 : vector<16xi32>
    %swap3A_738 = arith.constant 80 : index
    %swap3A_739 = tpu.vector_load %arg6[%swap3A_738] {strides = array<i32>} : memref<192xi32, #tpu.memory_space<vmem>>, vector<16xi32>,
    tpu.vector_store %arg6[%swap3A_738], %add3A_737 {strides = array<i32>} : memref<192xi32, #tpu.memory_space<vmem>>, vector<16xi32>,
    %add3A_740 = arith.constant 4 : i32
    %add3A_741 = arith.addi %add3A_691, %add3A_740 : i32
    %mul3A_742 = arith.constant 64 : i32
    %mul3A_743 = arith.muli %add3A_741, %mul3A_742 : i32
    %add3A_744 = vector.broadcast %mul3A_743 : i32 to vector<16xi32>
    %add3A_745 = arith.addi %get3A_3, %add3A_744 : vector<16xi32>
    %swap3A_746 = arith.constant 96 : index
    %swap3A_747 = tpu.vector_load %arg6[%swap3A_746] {strides = array<i32>} : memref<192xi32, #tpu.memory_space<vmem>>, vector<16xi32>,
    tpu.vector_store %arg6[%swap3A_746], %add3A_745 {strides = array<i32>} : memref<192xi32, #tpu.memory_space<vmem>>, vector<16xi32>,
    %add3A_748 = arith.constant 4 : i32
    %add3A_749 = arith.addi %add3A_691, %add3A_748 : i32
    %mul3A_750 = arith.constant 64 : i32
    %mul3A_751 = arith.muli %add3A_749, %mul3A_750 : i32
    %add3A_752 = vector.broadcast %mul3A_751 : i32 to vector<16xi32>
    %add3A_753 = arith.addi %get3A_5, %add3A_752 : vector<16xi32>
    %swap3A_754 = arith.constant 112 : index
    %swap3A_755 = tpu.vector_load %arg6[%swap3A_754] {strides = array<i32>} : memref<192xi32, #tpu.memory_space<vmem>>, vector<16xi32>,
    tpu.vector_store %arg6[%swap3A_754], %add3A_753 {strides = array<i32>} : memref<192xi32, #tpu.memory_space<vmem>>, vector<16xi32>,
    %add3A_756 = arith.constant 4 : i32
    %add3A_757 = arith.addi %add3A_691, %add3A_756 : i32
    %mul3A_758 = arith.constant 64 : i32
    %mul3A_759 = arith.muli %add3A_757, %mul3A_758 : i32
    %add3A_760 = vector.broadcast %mul3A_759 : i32 to vector<16xi32>
    %add3A_761 = arith.addi %get3A_7, %add3A_760 : vector<16xi32>
    %swap3A_762 = arith.constant 128 : index
    %swap3A_763 = tpu.vector_load %arg6[%swap3A_762] {strides = array<i32>} : memref<192xi32, #tpu.memory_space<vmem>>, vector<16xi32>,
    tpu.vector_store %arg6[%swap3A_762], %add3A_761 {strides = array<i32>} : memref<192xi32, #tpu.memory_space<vmem>>, vector<16xi32>,
    %add3A_764 = arith.constant 6 : i32
    %add3A_765 = arith.addi %add3A_691, %add3A_764 : i32
    %mul3A_766 = arith.constant 64 : i32
    %mul3A_767 = arith.muli %add3A_765, %mul3A_766 : i32
    %add3A_768 = vector.broadcast %mul3A_767 : i32 to vector<16xi32>
    %add3A_769 = arith.addi %get3A_3, %add3A_768 : vector<16xi32>
    %swap3A_770 = arith.constant 144 : index
    %swap3A_771 = tpu.vector_load %arg6[%swap3A_770] {strides = array<i32>} : memref<192xi32, #tpu.memory_space<vmem>>, vector<16xi32>,
    tpu.vector_store %arg6[%swap3A_770], %add3A_769 {strides = array<i32>} : memref<192xi32, #tpu.memory_space<vmem>>, vector<16xi32>,
    %add3A_772 = arith.constant 6 : i32
    %add3A_773 = arith.addi %add3A_691, %add3A_772 : i32
    %mul3A_774 = arith.constant 64 : i32
    %mul3A_775 = arith.muli %add3A_773, %mul3A_774 : i32
    %add3A_776 = vector.broadcast %mul3A_775 : i32 to vector<16xi32>
    %add3A_777 = arith.addi %get3A_5, %add3A_776 : vector<16xi32>
    %swap3A_778 = arith.constant 160 : index
    %swap3A_779 = tpu.vector_load %arg6[%swap3A_778] {strides = array<i32>} : memref<192xi32, #tpu.memory_space<vmem>>, vector<16xi32>,
    tpu.vector_store %arg6[%swap3A_778], %add3A_777 {strides = array<i32>} : memref<192xi32, #tpu.memory_space<vmem>>, vector<16xi32>,
    %add3A_780 = arith.constant 6 : i32
    %add3A_781 = arith.addi %add3A_691, %add3A_780 : i32
    %mul3A_782 = arith.constant 64 : i32
    %mul3A_783 = arith.muli %add3A_781, %mul3A_782 : i32
    %add3A_784 = vector.broadcast %mul3A_783 : i32 to vector<16xi32>
    %add3A_785 = arith.addi %get3A_7, %add3A_784 : vector<16xi32>
    %swap3A_786 = arith.constant 176 : index
    %swap3A_787 = tpu.vector_load %arg6[%swap3A_786] {strides = array<i32>} : memref<192xi32, #tpu.memory_space<vmem>>, vector<16xi32>,
    tpu.vector_store %arg6[%swap3A_786], %add3A_785 {strides = array<i32>} : memref<192xi32, #tpu.memory_space<vmem>>, vector<16xi32>,
    %dma_start3A_788 = arith.constant 0 : i32
    %dma_start3A_789 = arith.constant 0 : i32
    %dma_start3A_790 = tpu.memref_slice %arg2[%dma_start3A_788, %dma_start3A_789] : memref<131072x128xf32, #tpu.memory_space<hbm>> -> memref<131072x128xf32, #tpu.memory_space<hbm>>
    tpu.enqueue_indirect_dma source(%dma_start3A_790 : memref<131072x128xf32, #tpu.memory_space<hbm>>) target(%arg8 : memref<192x128xf32, #tpu.memory_space<vmem>>) offsets(%arg6 : memref<192xi32, #tpu.memory_space<vmem>>) semaphore(%arg10 : memref<!tpu.dma_semaphore, #tpu.memory_space<semaphore_mem>>)
    %dma_wait3A_791 = arith.constant 0 : i32
    %dma_wait3A_792 = arith.constant 0 : i32
    %dma_wait3A_793 = tpu.memref_slice %arg2[%dma_wait3A_791, %dma_wait3A_792] : memref<131072x128xf32, #tpu.memory_space<hbm>> -> memref<131072x128xf32, #tpu.memory_space<hbm>>
    tpu.wait_indirect_dma semaphore(%arg11 : memref<!tpu.dma_semaphore, #tpu.memory_space<semaphore_mem>>) src(%dma_wait3A_793 : memref<131072x128xf32, #tpu.memory_space<hbm>>) dst(%arg9 : memref<192x128xf32, #tpu.memory_space<vmem>>)
    %add3A_794 = arith.constant 960 : i32
    %add3A_795 = arith.addi %mul3A_2, %add3A_794 : i32
    %dma_start3A_796 = arith.constant 0 : i32
    %dma_start3A_797 = tpu.memref_slice %arg4[%add3A_795, %dma_start3A_796] : memref<49152x128xf32, #tpu.memory_space<hbm>> -> memref<192x128xf32, #tpu.memory_space<hbm>>
    %dma_start3A_798 = arith.constant 0 : i32
    %dma_start3A_799 = tpu.memref_slice %arg4[%add3A_795, %dma_start3A_798] : memref<49152x128xf32, #tpu.memory_space<hbm>> -> memref<192x128xf32, #tpu.memory_space<hbm>>
    tpu.enqueue_dma source(%arg9 : memref<192x128xf32, #tpu.memory_space<vmem>>) target(%dma_start3A_799 : memref<192x128xf32, #tpu.memory_space<hbm>>) target_semaphore(%arg13 : memref<!tpu.dma_semaphore, #tpu.memory_space<semaphore_mem>>)
    %dma_wait3A_800 = arith.constant 0 : i32
    %dma_wait3A_801 = tpu.memref_slice %arg4[%add3A_795, %dma_wait3A_800] : memref<49152x128xf32, #tpu.memory_space<hbm>> -> memref<192x128xf32, #tpu.memory_space<hbm>>
    %dma_wait3A_802 = arith.constant 0 : i32
    %dma_wait3A_803 = tpu.memref_slice %arg4[%add3A_795, %dma_wait3A_802] : memref<49152x128xf32, #tpu.memory_space<hbm>> -> memref<192x128xf32, #tpu.memory_space<hbm>>
    tpu.wait_dma2 semaphore(%arg13 : memref<!tpu.dma_semaphore, #tpu.memory_space<semaphore_mem>>) src(%arg9 : memref<192x128xf32, #tpu.memory_space<vmem>>) dst(%dma_wait3A_803 : memref<192x128xf32, #tpu.memory_space<hbm>>)
    %mul3A_804 = arith.constant 64 : i32
    %mul3A_805 = arith.muli %add3A, %mul3A_804 : i32
    %add3A_806 = arith.constant 56 : i32
    %add3A_807 = arith.addi %mul3A_805, %add3A_806 : i32
    %add3A_808 = arith.constant 0 : i32
    %add3A_809 = arith.addi %add3A_807, %add3A_808 : i32
    %mul3A_810 = arith.constant 64 : i32
    %mul3A_811 = arith.muli %add3A_809, %mul3A_810 : i32
    %add3A_812 = vector.broadcast %mul3A_811 : i32 to vector<16xi32>
    %add3A_813 = arith.addi %get3A_3, %add3A_812 : vector<16xi32>
    %swap3A_814 = arith.constant 0 : index
    %swap3A_815 = tpu.vector_load %arg7[%swap3A_814] {strides = array<i32>} : memref<192xi32, #tpu.memory_space<vmem>>, vector<16xi32>,
    tpu.vector_store %arg7[%swap3A_814], %add3A_813 {strides = array<i32>} : memref<192xi32, #tpu.memory_space<vmem>>, vector<16xi32>,
    %add3A_816 = arith.constant 0 : i32
    %add3A_817 = arith.addi %add3A_807, %add3A_816 : i32
    %mul3A_818 = arith.constant 64 : i32
    %mul3A_819 = arith.muli %add3A_817, %mul3A_818 : i32
    %add3A_820 = vector.broadcast %mul3A_819 : i32 to vector<16xi32>
    %add3A_821 = arith.addi %get3A_5, %add3A_820 : vector<16xi32>
    %swap3A_822 = arith.constant 16 : index
    %swap3A_823 = tpu.vector_load %arg7[%swap3A_822] {strides = array<i32>} : memref<192xi32, #tpu.memory_space<vmem>>, vector<16xi32>,
    tpu.vector_store %arg7[%swap3A_822], %add3A_821 {strides = array<i32>} : memref<192xi32, #tpu.memory_space<vmem>>, vector<16xi32>,
    %add3A_824 = arith.constant 0 : i32
    %add3A_825 = arith.addi %add3A_807, %add3A_824 : i32
    %mul3A_826 = arith.constant 64 : i32
    %mul3A_827 = arith.muli %add3A_825, %mul3A_826 : i32
    %add3A_828 = vector.broadcast %mul3A_827 : i32 to vector<16xi32>
    %add3A_829 = arith.addi %get3A_7, %add3A_828 : vector<16xi32>
    %swap3A_830 = arith.constant 32 : index
    %swap3A_831 = tpu.vector_load %arg7[%swap3A_830] {strides = array<i32>} : memref<192xi32, #tpu.memory_space<vmem>>, vector<16xi32>,
    tpu.vector_store %arg7[%swap3A_830], %add3A_829 {strides = array<i32>} : memref<192xi32, #tpu.memory_space<vmem>>, vector<16xi32>,
    %add3A_832 = arith.constant 2 : i32
    %add3A_833 = arith.addi %add3A_807, %add3A_832 : i32
    %mul3A_834 = arith.constant 64 : i32
    %mul3A_835 = arith.muli %add3A_833, %mul3A_834 : i32
    %add3A_836 = vector.broadcast %mul3A_835 : i32 to vector<16xi32>
    %add3A_837 = arith.addi %get3A_3, %add3A_836 : vector<16xi32>
    %swap3A_838 = arith.constant 48 : index
    %swap3A_839 = tpu.vector_load %arg7[%swap3A_838] {strides = array<i32>} : memref<192xi32, #tpu.memory_space<vmem>>, vector<16xi32>,
    tpu.vector_store %arg7[%swap3A_838], %add3A_837 {strides = array<i32>} : memref<192xi32, #tpu.memory_space<vmem>>, vector<16xi32>,
    %add3A_840 = arith.constant 2 : i32
    %add3A_841 = arith.addi %add3A_807, %add3A_840 : i32
    %mul3A_842 = arith.constant 64 : i32
    %mul3A_843 = arith.muli %add3A_841, %mul3A_842 : i32
    %add3A_844 = vector.broadcast %mul3A_843 : i32 to vector<16xi32>
    %add3A_845 = arith.addi %get3A_5, %add3A_844 : vector<16xi32>
    %swap3A_846 = arith.constant 64 : index
    %swap3A_847 = tpu.vector_load %arg7[%swap3A_846] {strides = array<i32>} : memref<192xi32, #tpu.memory_space<vmem>>, vector<16xi32>,
    tpu.vector_store %arg7[%swap3A_846], %add3A_845 {strides = array<i32>} : memref<192xi32, #tpu.memory_space<vmem>>, vector<16xi32>,
    %add3A_848 = arith.constant 2 : i32
    %add3A_849 = arith.addi %add3A_807, %add3A_848 : i32
    %mul3A_850 = arith.constant 64 : i32
    %mul3A_851 = arith.muli %add3A_849, %mul3A_850 : i32
    %add3A_852 = vector.broadcast %mul3A_851 : i32 to vector<16xi32>
    %add3A_853 = arith.addi %get3A_7, %add3A_852 : vector<16xi32>
    %swap3A_854 = arith.constant 80 : index
    %swap3A_855 = tpu.vector_load %arg7[%swap3A_854] {strides = array<i32>} : memref<192xi32, #tpu.memory_space<vmem>>, vector<16xi32>,
    tpu.vector_store %arg7[%swap3A_854], %add3A_853 {strides = array<i32>} : memref<192xi32, #tpu.memory_space<vmem>>, vector<16xi32>,
    %add3A_856 = arith.constant 4 : i32
    %add3A_857 = arith.addi %add3A_807, %add3A_856 : i32
    %mul3A_858 = arith.constant 64 : i32
    %mul3A_859 = arith.muli %add3A_857, %mul3A_858 : i32
    %add3A_860 = vector.broadcast %mul3A_859 : i32 to vector<16xi32>
    %add3A_861 = arith.addi %get3A_3, %add3A_860 : vector<16xi32>
    %swap3A_862 = arith.constant 96 : index
    %swap3A_863 = tpu.vector_load %arg7[%swap3A_862] {strides = array<i32>} : memref<192xi32, #tpu.memory_space<vmem>>, vector<16xi32>,
    tpu.vector_store %arg7[%swap3A_862], %add3A_861 {strides = array<i32>} : memref<192xi32, #tpu.memory_space<vmem>>, vector<16xi32>,
    %add3A_864 = arith.constant 4 : i32
    %add3A_865 = arith.addi %add3A_807, %add3A_864 : i32
    %mul3A_866 = arith.constant 64 : i32
    %mul3A_867 = arith.muli %add3A_865, %mul3A_866 : i32
    %add3A_868 = vector.broadcast %mul3A_867 : i32 to vector<16xi32>
    %add3A_869 = arith.addi %get3A_5, %add3A_868 : vector<16xi32>
    %swap3A_870 = arith.constant 112 : index
    %swap3A_871 = tpu.vector_load %arg7[%swap3A_870] {strides = array<i32>} : memref<192xi32, #tpu.memory_space<vmem>>, vector<16xi32>,
    tpu.vector_store %arg7[%swap3A_870], %add3A_869 {strides = array<i32>} : memref<192xi32, #tpu.memory_space<vmem>>, vector<16xi32>,
    %add3A_872 = arith.constant 4 : i32
    %add3A_873 = arith.addi %add3A_807, %add3A_872 : i32
    %mul3A_874 = arith.constant 64 : i32
    %mul3A_875 = arith.muli %add3A_873, %mul3A_874 : i32
    %add3A_876 = vector.broadcast %mul3A_875 : i32 to vector<16xi32>
    %add3A_877 = arith.addi %get3A_7, %add3A_876 : vector<16xi32>
    %swap3A_878 = arith.constant 128 : index
    %swap3A_879 = tpu.vector_load %arg7[%swap3A_878] {strides = array<i32>} : memref<192xi32, #tpu.memory_space<vmem>>, vector<16xi32>,
    tpu.vector_store %arg7[%swap3A_878], %add3A_877 {strides = array<i32>} : memref<192xi32, #tpu.memory_space<vmem>>, vector<16xi32>,
    %add3A_880 = arith.constant 6 : i32
    %add3A_881 = arith.addi %add3A_807, %add3A_880 : i32
    %mul3A_882 = arith.constant 64 : i32
    %mul3A_883 = arith.muli %add3A_881, %mul3A_882 : i32
    %add3A_884 = vector.broadcast %mul3A_883 : i32 to vector<16xi32>
    %add3A_885 = arith.addi %get3A_3, %add3A_884 : vector<16xi32>
    %swap3A_886 = arith.constant 144 : index
    %swap3A_887 = tpu.vector_load %arg7[%swap3A_886] {strides = array<i32>} : memref<192xi32, #tpu.memory_space<vmem>>, vector<16xi32>,
    tpu.vector_store %arg7[%swap3A_886], %add3A_885 {strides = array<i32>} : memref<192xi32, #tpu.memory_space<vmem>>, vector<16xi32>,
    %add3A_888 = arith.constant 6 : i32
    %add3A_889 = arith.addi %add3A_807, %add3A_888 : i32
    %mul3A_890 = arith.constant 64 : i32
    %mul3A_891 = arith.muli %add3A_889, %mul3A_890 : i32
    %add3A_892 = vector.broadcast %mul3A_891 : i32 to vector<16xi32>
    %add3A_893 = arith.addi %get3A_5, %add3A_892 : vector<16xi32>
    %swap3A_894 = arith.constant 160 : index
    %swap3A_895 = tpu.vector_load %arg7[%swap3A_894] {strides = array<i32>} : memref<192xi32, #tpu.memory_space<vmem>>, vector<16xi32>,
    tpu.vector_store %arg7[%swap3A_894], %add3A_893 {strides = array<i32>} : memref<192xi32, #tpu.memory_space<vmem>>, vector<16xi32>,
    %add3A_896 = arith.constant 6 : i32
    %add3A_897 = arith.addi %add3A_807, %add3A_896 : i32
    %mul3A_898 = arith.constant 64 : i32
    %mul3A_899 = arith.muli %add3A_897, %mul3A_898 : i32
    %add3A_900 = vector.broadcast %mul3A_899 : i32 to vector<16xi32>
    %add3A_901 = arith.addi %get3A_7, %add3A_900 : vector<16xi32>
    %swap3A_902 = arith.constant 176 : index
    %swap3A_903 = tpu.vector_load %arg7[%swap3A_902] {strides = array<i32>} : memref<192xi32, #tpu.memory_space<vmem>>, vector<16xi32>,
    tpu.vector_store %arg7[%swap3A_902], %add3A_901 {strides = array<i32>} : memref<192xi32, #tpu.memory_space<vmem>>, vector<16xi32>,
    %dma_start3A_904 = arith.constant 0 : i32
    %dma_start3A_905 = arith.constant 0 : i32
    %dma_start3A_906 = tpu.memref_slice %arg2[%dma_start3A_904, %dma_start3A_905] : memref<131072x128xf32, #tpu.memory_space<hbm>> -> memref<131072x128xf32, #tpu.memory_space<hbm>>
    tpu.enqueue_indirect_dma source(%dma_start3A_906 : memref<131072x128xf32, #tpu.memory_space<hbm>>) target(%arg9 : memref<192x128xf32, #tpu.memory_space<vmem>>) offsets(%arg7 : memref<192xi32, #tpu.memory_space<vmem>>) semaphore(%arg11 : memref<!tpu.dma_semaphore, #tpu.memory_space<semaphore_mem>>)
    %dma_wait3A_907 = arith.constant 0 : i32
    %dma_wait3A_908 = arith.constant 0 : i32
    %dma_wait3A_909 = tpu.memref_slice %arg2[%dma_wait3A_907, %dma_wait3A_908] : memref<131072x128xf32, #tpu.memory_space<hbm>> -> memref<131072x128xf32, #tpu.memory_space<hbm>>
    tpu.wait_indirect_dma semaphore(%arg10 : memref<!tpu.dma_semaphore, #tpu.memory_space<semaphore_mem>>) src(%dma_wait3A_909 : memref<131072x128xf32, #tpu.memory_space<hbm>>) dst(%arg8 : memref<192x128xf32, #tpu.memory_space<vmem>>)
    %add3A_910 = arith.constant 1152 : i32
    %add3A_911 = arith.addi %mul3A_2, %add3A_910 : i32
    %dma_start3A_912 = arith.constant 0 : i32
    %dma_start3A_913 = tpu.memref_slice %arg4[%add3A_911, %dma_start3A_912] : memref<49152x128xf32, #tpu.memory_space<hbm>> -> memref<192x128xf32, #tpu.memory_space<hbm>>
    %dma_start3A_914 = arith.constant 0 : i32
    %dma_start3A_915 = tpu.memref_slice %arg4[%add3A_911, %dma_start3A_914] : memref<49152x128xf32, #tpu.memory_space<hbm>> -> memref<192x128xf32, #tpu.memory_space<hbm>>
    tpu.enqueue_dma source(%arg8 : memref<192x128xf32, #tpu.memory_space<vmem>>) target(%dma_start3A_915 : memref<192x128xf32, #tpu.memory_space<hbm>>) target_semaphore(%arg12 : memref<!tpu.dma_semaphore, #tpu.memory_space<semaphore_mem>>)
    %dma_wait3A_916 = arith.constant 0 : i32
    %dma_wait3A_917 = arith.constant 0 : i32
    %dma_wait3A_918 = tpu.memref_slice %arg2[%dma_wait3A_916, %dma_wait3A_917] : memref<131072x128xf32, #tpu.memory_space<hbm>> -> memref<131072x128xf32, #tpu.memory_space<hbm>>
    tpu.wait_indirect_dma semaphore(%arg11 : memref<!tpu.dma_semaphore, #tpu.memory_space<semaphore_mem>>) src(%dma_wait3A_918 : memref<131072x128xf32, #tpu.memory_space<hbm>>) dst(%arg9 : memref<192x128xf32, #tpu.memory_space<vmem>>)
    %add3A_919 = arith.constant 1344 : i32
    %add3A_920 = arith.addi %mul3A_2, %add3A_919 : i32
    %dma_start3A_921 = arith.constant 0 : i32
    %dma_start3A_922 = tpu.memref_slice %arg4[%add3A_920, %dma_start3A_921] : memref<49152x128xf32, #tpu.memory_space<hbm>> -> memref<192x128xf32, #tpu.memory_space<hbm>>
    %dma_start3A_923 = arith.constant 0 : i32
    %dma_start3A_924 = tpu.memref_slice %arg4[%add3A_920, %dma_start3A_923] : memref<49152x128xf32, #tpu.memory_space<hbm>> -> memref<192x128xf32, #tpu.memory_space<hbm>>
    tpu.enqueue_dma source(%arg9 : memref<192x128xf32, #tpu.memory_space<vmem>>) target(%dma_start3A_924 : memref<192x128xf32, #tpu.memory_space<hbm>>) target_semaphore(%arg13 : memref<!tpu.dma_semaphore, #tpu.memory_space<semaphore_mem>>)
    %dma_wait3A_925 = arith.constant 0 : i32
    %dma_wait3A_926 = tpu.memref_slice %arg4[%add3A_911, %dma_wait3A_925] : memref<49152x128xf32, #tpu.memory_space<hbm>> -> memref<192x128xf32, #tpu.memory_space<hbm>>
    %dma_wait3A_927 = arith.constant 0 : i32
    %dma_wait3A_928 = tpu.memref_slice %arg4[%add3A_911, %dma_wait3A_927] : memref<49152x128xf32, #tpu.memory_space<hbm>> -> memref<192x128xf32, #tpu.memory_space<hbm>>
    tpu.wait_dma2 semaphore(%arg12 : memref<!tpu.dma_semaphore, #tpu.memory_space<semaphore_mem>>) src(%arg8 : memref<192x128xf32, #tpu.memory_space<vmem>>) dst(%dma_wait3A_928 : memref<192x128xf32, #tpu.memory_space<hbm>>)
    %dma_wait3A_929 = arith.constant 0 : i32
    %dma_wait3A_930 = tpu.memref_slice %arg4[%add3A_920, %dma_wait3A_929] : memref<49152x128xf32, #tpu.memory_space<hbm>> -> memref<192x128xf32, #tpu.memory_space<hbm>>
    %dma_wait3A_931 = arith.constant 0 : i32
    %dma_wait3A_932 = tpu.memref_slice %arg4[%add3A_920, %dma_wait3A_931] : memref<49152x128xf32, #tpu.memory_space<hbm>> -> memref<192x128xf32, #tpu.memory_space<hbm>>
    tpu.wait_dma2 semaphore(%arg13 : memref<!tpu.dma_semaphore, #tpu.memory_space<semaphore_mem>>) src(%arg9 : memref<192x128xf32, #tpu.memory_space<vmem>>) dst(%dma_wait3A_932 : memref<192x128xf32, #tpu.memory_space<hbm>>)
    return
  }
}

</mosaic_0001>

<sc_bundles>
// kernel: kernel.3.cloned.1.call-start
scs
__scs_entry_jumppad:
0x0: {  	(pc) =	sbr.rel $0x88, $3  }
0x1: {  	(tag) =	ssettag $0x0;
	lr =	simm.s32 $0x1  }
0x2: {  	[smem:$0x3FA0] =	sst lr;
	_ =	strace $0xD0000000  }
0x3: {  	_ = 	snop  }
0x4: {  	_ = 	snop  }
0x5: {  	_ = 	snop  }
0x6: {  	_ = 	snop  }
0x7: {  	_ = 	snop  }
__scs_overlays_trampoline_lowered:
0x8: {  	[smem:$0x3FAF] =	sst s0  }
0x9: {  	[smem:$0x3FB0] =	sst s1  }
0xa: {  	[smem:$0x3FB1] =	sst s2  }
0xb: {  	[smem:$0x3FB2] =	sst s3  }
0xc: {  	[smem:$0x3FB3] =	sst s4  }
0xd: {  	[smem:$0x3FB4] =	sst s5  }
0xe: {  	[smem:$0x3FB5] =	sst s6  }
0xf: {  	[smem:$0x3FB6] =	sst s7  }
0x10: {  	[smem:$0x3FB7] =	sst s8  }
0x11: {  	[smem:$0x3FB8] =	sst s9;
	s0 =	simm.s32 @!p0 $0x0  }
0x12: {  	s1 =	sld [smem:$0x3F9E];
	s0 =	simm.s32 @p0 $0x1  }
0x13: {  	[smem:$0x3FB9] =	sst s0;
	s0 =	simm.s32 @!p1 $0x0  }
0x14: {  	s2 =	sld [smem:$0x3F9D];
	s0 =	simm.s32 @p1 $0x1  }
0x15: {  	[smem:$0x3FBA] =	sst s0;
	s0 =	simm.s32 @!p2 $0x0  }
0x16: {  	s3 =	sld [smem:$0x3FDB];
	s0 =	simm.s32 @p2 $0x1  }
0x17: {  	s4 =	simm.s32 $0x1BF5;
	[smem:$0x3FBC] =	sst s0  }
0x18: {  	s0 =	sld [smem:$0x3F9F];
	_ =	swait.ge [sflag:s4], $0x0  }
0x19: {  	s7 =	sld [smem:$0x3FA0]  }
0x1a: {  	s8 =	sadd.s32 $0xFFFFE003, lr  }
0x1b: {  	s9 =	sadd.s32 $0xFFFFFEF7, lr;
	s5 =	simm.s32 $0xFFFFFFFF;
	p2 =	slt.u32 s8, $0xFFFFF086  }
0x1c: {  	p1 =	slt.u32 s9, $0xF7A;
	s5 =	simm.s32 @!p2 $0x0  }
0x1d: {  	s5 =	simm.s32 @p1 $0x1;
	p0 =	seq.s32 s7, s2  }
0x1e: {  	s7 =	smul.u32 @!p0 $0xF7A, s2;
	p2 =	seq.s32 @!p0 s5, $0x0  }
0x1f: {  	s9 =	smul.u32 $0xF7A, s1;
	s8 =	simm.s32 @!p0 $0x1BF5;
	p2 =	por !p2, p0  }
0x20: {  	[sflag:s8] =	ssyncset.s32 @!p0 $0xFFFFF086;
	s6 =	sadd.s32 @!p0 s3, s7;
	s7 =	simm.s32 @!p0 $0x108  }
0x21: {  	s3 =	sadd.s32 s3, s9;
	s6 =	sadd.s32 @!p0 $0x88, s6;
	s7 =	simm.s32 @p2 $0x1082  }
0x22: {  	[simem:s7], [sflag:s8] =	dma.local @!p0 [hbm:s6], $0xF7A  }
0x23: {  	s9 =	sor.u32 $0xD0000000, s2;
	s6 =	simm.s32 $0x108;
	_ =	swait.ge @!p0 [sflag:s8], $0x0  }
0x24: {  	s3 =	sadd.s32 $0x88, s3;
	s6 =	simm.s32 @!p1 $0x1082;
	[sflag:s4] =	ssyncset.s32 $0xFFFFF086  }
0x25: {  	[simem:s6], [sflag:s4] =	dma.local [hbm:s3], $0xF7A  }
0x26: {  	[smem:$0x3FA0] =	sst s1;
	(tag) =	ssettag s2;
	_ =	strace s9  }
0x27: {  	s1 =	sld [smem:$0x3FB0]  }
0x28: {  	s2 =	sld [smem:$0x3FB1]  }
0x29: {  	s4 =	sld [smem:$0x3FB3]  }
0x2a: {  	p0 =	seq.s32 s5, $0x0;
	s5 =	sld [smem:$0x3FB4]  }
0x2b: {  	s6 =	sld [smem:$0x3FB5]  }
0x2c: {  	s7 =	sld [smem:$0x3FB6]  }
0x2d: {  	s3 =	simm.s32 $0x108;
	s8 =	sld [smem:$0x3FB7]  }
0x2e: {  	s3 =	simm.s32 @!p0 $0x1082;
	s9 =	sld [smem:$0x3FB8]  }
0x2f: {  	lr =	sadd.s32 s0, s3;
	s0 =	sld [smem:$0x3FAF]  }
0x30: {  	s3 =	sld [smem:$0x3FB2]  }
0x31: {  	[smem:$0x3FBB] =	sst s10  }
0x32: {  	s10 =	sld [smem:$0x3FB9];
	_ =	sdelay $0x3  }
0x33: {  	p0 =	seq.s32 s10, $0x1;
	s10 =	sld [smem:$0x3FBB];
	_ =	sdelay $0x3  }
0x34: {  	[smem:$0x3FBB] =	sst s10  }
0x35: {  	s10 =	sld [smem:$0x3FBA];
	_ =	sdelay $0x3  }
0x36: {  	p1 =	seq.s32 s10, $0x1;
	s10 =	sld [smem:$0x3FBB];
	_ =	sdelay $0x3  }
0x37: {  	[smem:$0x3FBB] =	sst s10  }
0x38: {  	s10 =	sld [smem:$0x3FBC]  }
0x39: {  	_ = 	snop;
	(pc) =	sbr.ind lr, $3  }
0x3a: {  	_ = 	snop  }
0x3b: {  	_ = 	snop  }
0x3c: {  	p2 =	seq.s32 s10, $0x1;
	s10 =	sld [smem:$0x3FBB]  }
0x3d: {  	_ =	shalt  }
0x3e: {  	_ =	shalt  }
0x3f: {  	_ =	shalt  }
0x40: {  	_ =	shalt  }
0x41: {  	_ =	shalt  }
0x42: {  	_ =	shalt  }
0x43: {  	_ =	shalt  }
0x44: {  	_ =	shalt  }
0x45: {  	_ =	shalt  }
0x46: {  	_ =	shalt  }
0x47: {  	_ =	shalt  }
0x48: {  	_ =	shalt  }
0x49: {  	_ =	shalt  }
0x4a: {  	_ =	shalt  }
0x4b: {  	_ =	shalt  }
0x4c: {  	_ =	shalt  }
0x4d: {  	_ =	shalt  }
0x4e: {  	_ =	shalt  }
0x4f: {  	_ =	shalt  }
0x50: {  	_ =	shalt  }
0x51: {  	_ =	shalt  }
0x52: {  	_ =	shalt  }
0x53: {  	_ =	shalt  }
0x54: {  	_ =	shalt  }
0x55: {  	_ =	shalt  }
0x56: {  	_ =	shalt  }
0x57: {  	_ =	shalt  }
0x58: {  	_ =	shalt  }
0x59: {  	_ =	shalt  }
0x5a: {  	_ =	shalt  }
0x5b: {  	_ =	shalt  }
0x5c: {  	_ =	shalt  }
0x5d: {  	_ =	shalt  }
0x5e: {  	_ =	shalt  }
0x5f: {  	_ =	shalt  }
0x60: {  	_ =	shalt  }
0x61: {  	_ =	shalt  }
0x62: {  	_ =	shalt  }
0x63: {  	_ =	shalt  }
0x64: {  	_ =	shalt  }
0x65: {  	_ =	shalt  }
0x66: {  	_ =	shalt  }
0x67: {  	_ =	shalt  }
0x68: {  	_ =	shalt  }
0x69: {  	_ =	shalt  }
0x6a: {  	_ =	shalt  }
0x6b: {  	_ =	shalt  }
0x6c: {  	_ =	shalt  }
0x6d: {  	_ =	shalt  }
0x6e: {  	_ =	shalt  }
0x6f: {  	_ =	shalt  }
0x70: {  	_ =	shalt  }
0x71: {  	_ =	shalt  }
0x72: {  	_ =	shalt  }
0x73: {  	_ =	shalt  }
0x74: {  	_ =	shalt  }
0x75: {  	_ =	shalt  }
0x76: {  	_ =	shalt  }
0x77: {  	_ =	shalt  }
0x78: {  	_ =	shalt  }
0x79: {  	_ =	shalt  }
0x7a: {  	_ =	shalt  }
0x7b: {  	_ =	shalt  }
0x7c: {  	_ =	shalt  }
0x7d: {  	_ =	shalt  }
0x7e: {  	_ =	shalt  }
0x7f: {  	_ =	shalt  }
0x80: {  	_ =	shalt  }
0x81: {  	_ =	shalt  }
0x82: {  	_ =	shalt  }
0x83: {  	_ =	shalt  }
0x84: {  	_ =	shalt  }
0x85: {  	_ =	shalt  }
0x86: {  	_ =	shalt  }
0x87: {  	_ =	shalt  }
.Lfunc_end0:
.L_simem_size_0:
called_computation_lowered:
.L_overlay_start_0:
0x88: {  	s2 =	sld [smem:$0x3FD9]  }
0x89: {  	s3 =	sld [smem:$0x3FFE];
	_ =	sdelay $0x1  }
0x8a: {  	s1 =	srdreg.scid  }
0x8b: {  	s0 =	sand.u32 $0x1, s1  }
0x8c: {  	s17 =	sshll.u32 s0, $0xA;
	s2 =	sadd.s32 s3, s2  }
0x8d: {  	s2 =	sadd.s32 s2, s17  }
0x8e: {  	[smem:$0x3FC7] =	sst s2  }
0x8f: {  	_ = 	snop  }
0x90: {  	s2 =	sld [smem:$0x3FC9]  }
0x91: {  	s18 =	sld [smem:$0x3FD0];
	(tm) =	ssettm $0x1  }
0x92: {  	s4 =	sld [smem:$0x3FFB];
	_ =	sdelay $0x3  }
0x93: {  	_ =	strace s4  }
0x94: {  	s4 =	sld [smem:$0x3FFC];
	_ =	sdelay $0x3  }
0x95: {  	_ =	strace s4  }
0x96: {  	s4 =	sld [smem:$0x3FFD];
	_ =	sdelay $0x3  }
0x97: {  	_ =	strace s4  }
0x98: {  	_ =	strace $0x8FFFFFFF  }
0x99: {  	s19 =	sld [smem:$0x3FDB];
	_ =	sdelay $0x1  }
0x9a: {  	s5 =	simm.s32 $_scs_section_size  }
0x9b: {  	s6 =	simm.s32 $_size__tile_overlayer_lowered;
	s7 =	simm.s32 $_tile_overlayer_lowered  }
0x9c: {  	s22 =	simm.s32 $0x1BFF;
	s21 =	sshll.u32 s7, $0x1;
	s4 =	sadd.s32 s5, s19  }
0x9d: {  	s8 =	simm.s32 $0x0;
	s20 =	sshll.u32 s6, $0x1;
	s6 =	sadd.s32 s21, s4  }
0x9e: {  	[timem:s8], [sflag:s22] =	dma.local [hbm:s6], s20  }
0x9f: {  	_ =	swait.ge [sflag:s22], s20  }
0xa0: {  	s5 =	ssub.s32 $0x0, s20;
	[sflag:s22] =	ssyncset.done $0x0  }
0xa1: {  	[sflag:s22] =	ssyncadd.s32 s5;
	_ =	sdelay $0x1  }
0xa2: {  	s23 =	simm.s32 $0x1B8B  }
0xa3: {  	_ =	swait.ge [sflag:s23], $0x1  }
0xa4: {  	[sflag:s23] =	ssyncset.done $0x0  }
0xa5: {  	s25 =	simm.s32 $0x1B8E;
	s24 =	sld [smem:$0x3FFE];
	[sflag:s23] =	ssyncadd.s32 $0xFFFFFFFF  }
0xa6: {  	s26 =	simm.s32 $execute0_lowered;
	[smem:$0x3FD2] =	sst s25  }
0xa7: {  	s6 =	sshll.u32 s26, $0x1;
	_ =	strace $0x80000046;
	[dreg:$0x1] =	wrdreg $0xFFFFFFFF  }
0xa8: {  	s28 =	simm.s32 $_size_execute0_lowered;
	s4 =	sadd.s32 s4, s6;
	[dreg:$0x0] =	wrdreg $0x0  }
0xa9: {  	s6 =	sshll.u32 s28, $0x1;
	[dreg:$0x2] =	wrdreg s4  }
0xaa: {  	[dreg:$0x3] =	wrdreg s6  }
0xab: {  	[dreg:$0x4] =	wrdreg $0xC0  }
0xac: {  	_ =	task [dreg:s8], $0x5FFFF  }
0xad: {  	[dreg:$0x1] =	wrdreg $0xFFFFFFFF  }
0xae: {  	[dreg:$0x0] =	wrdreg $0x60  }
0xaf: {  	[dreg:$0x2] =	wrdreg s2  }
0xb0: {  	[dreg:$0x3] =	wrdreg s24  }
0xb1: {  	[dreg:$0x4] =	wrdreg s18  }
0xb2: {  	[dreg:$0x5] =	wrdreg $0x9  }
0xb3: {  	_ =	task.clear_ibuf [dreg:s8], $0x6FFFF;
	_ =	strace $0x90000046  }
0xb4: {  	s29 =	simm.s32 $0x9;
	_ =	strace $0x80000048  }
0xb5: {  	_ =	swait.ge [sflag:s29], $0x1  }
0xb6: {  	[sflag:s29] =	ssyncadd.s32 $0xFFFFFFFF  }
0xb7: {  	_ =	strace $0x90000048  }
0xb8: {  	_ =	sfence  }
0xb9: {  	s30 =	sld [smem:$0x0];
	_ =	sdelay $0x2  }
0xba: {  	s31 =	sshll.u32 s1, $0xD;
	s1 =	sshrl.u32 s1, $0x2  }
0xbb: {  	s3 =	sand.u32 $0x4000, s31;
	s1 =	sadd.s32 s1, s30  }
0xbc: {  	s0 =	sor.u32 s3, s0;
	s1 =	sshll.u32 s1, $0x11  }
0xbd: {  	s0 =	sor.u32 s1, s0  }
0xbe: {  	s0 =	sadd.s32 $0x8F2B, s0  }
0xbf: {  	[sflag:s0] =	ssyncadd.remote.s32 $0x1  }
0xc0: {  	_ =	sfence.sel $0xFFFF  }
0xc1: {  	[dreg:$0x0] =	wrdreg $0xFFFFFFFF;
	(pc) =	sbr.abs _section_cstart, $3  }
0xc2: {  	[dreg:$0x1] =	wrdreg $0xFFFFFFFF  }
0xc3: {  	_ =	task.clear_ibuf [dreg:s8], $0x2FFFF;
	_ =	strace $0x9FFFFFFF  }
0xc4: {  	(tm) =	ssettm $0x7FFFFFFF  }
0xc5: {  	_ =	shalt  }
tec
execute0_lowered:
.L_overlay_start_1:
0x0: {  	(tag) =	ssettag $0x1  }
0x1: {  	s1 =	rddreg [dreg:$0x0]  }
0x2: {  	s4 =	rddreg [dreg:$0x1]  }
0x3: {  	s8 =	rddreg [dreg:$0x2]  }
0x4: {  	s0 =	rddreg [dreg:$0x3];
	s5 =	srdreg.scid  }
0x5: {  	s3 =	simm.s32 $0x0;
	s2 =	stileid.u32;
	s5 =	sand.u32 $0x1, s5  }
0x6: {  	[smem:$0x7FF] =	sst s3;
	s7 =	sshll.u32 s2, $0x1;
	s4 =	sadd.s32 $0x400, s4  }
0x7: {  	s6 =	ssub.s32 $0x2, s5;
	_ =	strace $0x80000047;
	s7 =	sor.u32 s5, s7  }
0x8: {  	s9 =	sshrl.u32 s6, $0x1;
	s11 =	sshll.u32 s7, $0xC;
	s5 =	smul.u32 $0x6000, s7  }
0x9: {  	s7 =	smul.u32 $0x30000, s7;
	s13 =	ssub.s32 s6, s9;
	s30 =	sor.u32 $0x80, s11  }
0xa: {  	s10 =	sor.u32 $0x100, s11;
	s12 =	sor.u32 $0x180, s11;
	s14 =	sor.u32 $0x200, s11  }
0xb: {  	s15 =	sor.u32 $0x280, s11;
	s16 =	sor.u32 $0x300, s11;
	s17 =	sor.u32 $0x380, s11  }
0xc: {  	s18 =	sor.u32 $0x400, s11;
	s19 =	sor.u32 $0x480, s11;
	s20 =	sor.u32 $0x500, s11  }
0xd: {  	s21 =	sor.u32 $0x580, s11;
	s22 =	sor.u32 $0x600, s11;
	s23 =	sor.u32 $0x680, s11  }
0xe: {  	s24 =	sor.u32 $0x700, s11;
	s25 =	sor.u32 $0x780, s11;
	s31 =	sor.u32 $0x800, s11  }
0xf: {  	s28 =	sor.u32 $0x880, s11;
	s29 =	sor.u32 $0xE80, s11;
	s5 =	sadd.s32 s8, s5  }
0x10: {  	s26 =	sshrl.u32 s7, $0x3;
	v3 =	vmov s14;
	v4 =	vmov s15;
	s14 =	sor.u32 $0x900, s11;
	s15 =	sor.u32 $0x980, s11  }
0x11: {  	v5 =	vmov s16;
	v6 =	vmov s17;
	v7 =	vmov s18;
	s16 =	sor.u32 $0xA00, s11;
	s17 =	sor.u32 $0xA80, s11;
	s18 =	sor.u32 $0xB00, s11  }
0x12: {  	v9 =	vmov s20;
	v10 =	vmov s21;
	s20 =	sor.u32 $0xB80, s11;
	s21 =	sor.u32 $0xC00, s11;
	v11 =	vmov s22;
	s22 =	sor.u32 $0xC80, s11  }
0x13: {  	v12 =	vmov s23;
	v13 =	vmov s24;
	s23 =	sor.u32 $0xD00, s11;
	s24 =	sor.u32 $0xD80, s11;
	v14 =	vmov s25;
	s25 =	sor.u32 $0xE00, s11  }
0x14: {  	v17 =	vmov s11;
	v0 =	vmov s30;
	v15 =	vmov s31;
	s30 =	sor.u32 $0xF00, s11;
	s31 =	sor.u32 $0xF80, s11;
	s13 =	smax.u32 s13, $0x1  }
0x15: {  	v1 =	vmov s10;
	v2 =	vmov s12;
	v8 =	vmov s19;
	s19 =	simm.s32 $0x6280;
	s6 =	sadd.s32 $0xC00, s5;
	s7 =	sadd.s32 $0x1800, s5  }
0x16: {  	v16 =	vmov s28;
	s26 =	sadd.s32 s8, s26;
	v18 =	vmov s14;
	v19 =	vmov s15;
	s14 =	simm.s32 $0x5;
	s15 =	simm.s32 $0xC0  }
0x17: {  	v20 =	vmov s16;
	v21 =	vmov s17;
	v22 =	vmov s18;
	s16 =	simm.s32 $0x80;
	s17 =	simm.s32 $0x280;
	s18 =	simm.s32 $0x180  }
0x18: {  	v23 =	vmov s20;
	v24 =	vmov s21;
	v25 =	vmov s22;
	s20 =	simm.s32 $0x1;
	s21 =	simm.s32 $0x3;
	s22 =	simm.s32 $0x2  }
0x19: {  	v29 =	vmov s29;
	v26 =	vmov s23;
	v27 =	vmov s24;
	s23 =	simm.s32 $0x4;
	s8 =	sadd.s32 $0x2400, s26;
	s9 =	sadd.s32 $0x3000, s26  }
0x1a: {  	v28 =	vmov s25;
	v30 =	vmov s30;
	v31 =	vmov s31;
	s10 =	sadd.s32 $0x3C00, s26;
	s11 =	sadd.s32 $0x4800, s26;
	s12 =	sadd.s32 $0x5400, s26  }
.LBB2_1:
0x1b: {  	[tilespmem:s3], [sflag:$0x5] =	stream.linear.gather [hbm4b:s4+s3], $0x80, $0x38;
	[tilespmem:$0xC280] =	vst v63  }
0x1c: {  	_ =	swait.ge [sflag:s14], $0x80  }
0x1d: {  	[sflag:s14] =	ssyncset.done $0x0  }
0x1e: {  	[sflag:s14] =	ssyncadd.s32 $0xFFFFFF80  }
0x1f: {  	v34 =	vld [tilespmem:$0x0]  }
0x20: {  	v33 =	vld [tilespmem:$0x10]  }
0x21: {  	v32 =	vld [tilespmem:$0x20];
	_ =	sdelay $0x2  }
0x22: {  	v35 =	vadd.s32 v17, v34  }
0x23: {  	v56 =	vadd.s32 v17, v33;
	[tilespmem:$0x80] =	vst v35  }
0x24: {  	v57 =	vadd.s32 v17, v32;
	[tilespmem:$0x90] =	vst v56  }
0x25: {  	v58 =	vadd.s32 v0, v34;
	[tilespmem:$0xA0] =	vst v57  }
0x26: {  	v59 =	vadd.s32 v0, v33;
	[tilespmem:$0xB0] =	vst v58  }
0x27: {  	v60 =	vadd.s32 v0, v32;
	[tilespmem:$0xC0] =	vst v59  }
0x28: {  	v61 =	vadd.s32 v1, v34;
	[tilespmem:$0xD0] =	vst v60  }
0x29: {  	v62 =	vadd.s32 v1, v33;
	[tilespmem:$0xE0] =	vst v61  }
0x2a: {  	v63 =	vadd.s32 v1, v32;
	[tilespmem:$0xF0] =	vst v62  }
0x2b: {  	v36 =	vadd.s32 v2, v34;
	[tilespmem:$0x100] =	vst v63  }
0x2c: {  	v37 =	vadd.s32 v2, v33;
	[tilespmem:$0x110] =	vst v36  }
0x2d: {  	v38 =	vadd.s32 v2, v32;
	[tilespmem:$0x120] =	vst v37  }
0x2e: {  	[tilespmem:$0x130] =	vst v38  }
0x2f: {  	v39 =	vadd.s32 v3, v34;
	[tilespmem:s17], [sflag:$0x1] =	stream.indirect.gather [hbm4b:s1+s15], $0x80, s16, s15, $0xb8;
	[tilespmem:$0xC280] =	vst v63  }
0x30: {  	v40 =	vadd.s32 v3, v33;
	[tilespmem:$0x180] =	vst v39  }
0x31: {  	v41 =	vadd.s32 v3, v32;
	[tilespmem:$0x190] =	vst v40  }
0x32: {  	v42 =	vadd.s32 v4, v34;
	[tilespmem:$0x1A0] =	vst v41  }
0x33: {  	v43 =	vadd.s32 v4, v33;
	[tilespmem:$0x1B0] =	vst v42  }
0x34: {  	v44 =	vadd.s32 v4, v32;
	[tilespmem:$0x1C0] =	vst v43  }
0x35: {  	v45 =	vadd.s32 v5, v34;
	[tilespmem:$0x1D0] =	vst v44  }
0x36: {  	v46 =	vadd.s32 v5, v33;
	[tilespmem:$0x1E0] =	vst v45  }
0x37: {  	v47 =	vadd.s32 v5, v32;
	[tilespmem:$0x1F0] =	vst v46  }
0x38: {  	v48 =	vadd.s32 v6, v34;
	[tilespmem:$0x200] =	vst v47  }
0x39: {  	v49 =	vadd.s32 v6, v33;
	[tilespmem:$0x210] =	vst v48  }
0x3a: {  	v50 =	vadd.s32 v6, v32;
	[tilespmem:$0x220] =	vst v49  }
0x3b: {  	[tilespmem:$0x230] =	vst v50  }
0x3c: {  	[tilespmem:s19], [sflag:$0x2] =	stream.indirect.gather [hbm4b:s1+s15], $0x80, s18, s15, $0xb8;
	[tilespmem:$0xC280] =	vst v63  }
0x3d: {  	_ =	swait.ge [sflag:s20], $0x6000  }
0x3e: {  	[sflag:s20] =	ssyncset.done $0x0  }
0x3f: {  	[sflag:s20] =	ssyncadd.s32 $0xFFFFA000  }
0x40: {  	[hbm4b:s5+s3] =	stream.linear.scatter [tilespmem:s17], [sflag:$0x3], $0x6000, $0x38;
	[tilespmem:$0xC280] =	vst v63  }
0x41: {  	_ =	swait.ge [sflag:s21], $0x6000  }
0x42: {  	[sflag:s21] =	ssyncset.done $0x0  }
0x43: {  	v51 =	vadd.s32 v7, v34;
	[sflag:s21] =	ssyncadd.s32 $0xFFFFA000  }
0x44: {  	v52 =	vadd.s32 v7, v33;
	[tilespmem:$0x80] =	vst v51  }
0x45: {  	v53 =	vadd.s32 v7, v32;
	[tilespmem:$0x90] =	vst v52  }
0x46: {  	v54 =	vadd.s32 v8, v34;
	[tilespmem:$0xA0] =	vst v53  }
0x47: {  	v55 =	vadd.s32 v8, v33;
	[tilespmem:$0xB0] =	vst v54  }
0x48: {  	v56 =	vadd.s32 v8, v32;
	[tilespmem:$0xC0] =	vst v55  }
0x49: {  	v57 =	vadd.s32 v9, v34;
	[tilespmem:$0xD0] =	vst v56  }
0x4a: {  	v58 =	vadd.s32 v9, v33;
	[tilespmem:$0xE0] =	vst v57  }
0x4b: {  	v59 =	vadd.s32 v9, v32;
	[tilespmem:$0xF0] =	vst v58  }
0x4c: {  	v60 =	vadd.s32 v10, v34;
	[tilespmem:$0x100] =	vst v59  }
0x4d: {  	v61 =	vadd.s32 v10, v33;
	[tilespmem:$0x110] =	vst v60  }
0x4e: {  	v62 =	vadd.s32 v10, v32;
	[tilespmem:$0x120] =	vst v61  }
0x4f: {  	[tilespmem:$0x130] =	vst v62  }
0x50: {  	[tilespmem:s17], [sflag:$0x1] =	stream.indirect.gather [hbm4b:s1+s15], $0x80, s16, s15, $0xb8;
	[tilespmem:$0xC280] =	vst v63  }
0x51: {  	_ =	swait.ge [sflag:s22], $0x6000  }
0x52: {  	[sflag:s22] =	ssyncset.done $0x0  }
0x53: {  	[sflag:s22] =	ssyncadd.s32 $0xFFFFA000  }
0x54: {  	[hbm4b:s6+s3] =	stream.linear.scatter [tilespmem:s19], [sflag:$0x4], $0x6000, $0x38;
	[tilespmem:$0xC280] =	vst v63  }
0x55: {  	_ =	swait.ge [sflag:s23], $0x6000  }
0x56: {  	[sflag:s23] =	ssyncset.done $0x0  }
0x57: {  	v63 =	vadd.s32 v11, v34;
	[sflag:s23] =	ssyncadd.s32 $0xFFFFA000  }
0x58: {  	v36 =	vadd.s32 v11, v33;
	[tilespmem:$0x180] =	vst v63  }
0x59: {  	v37 =	vadd.s32 v11, v32;
	[tilespmem:$0x190] =	vst v36  }
0x5a: {  	v38 =	vadd.s32 v12, v34;
	[tilespmem:$0x1A0] =	vst v37  }
0x5b: {  	v39 =	vadd.s32 v12, v33;
	[tilespmem:$0x1B0] =	vst v38  }
0x5c: {  	v40 =	vadd.s32 v12, v32;
	[tilespmem:$0x1C0] =	vst v39  }
0x5d: {  	v41 =	vadd.s32 v13, v34;
	[tilespmem:$0x1D0] =	vst v40  }
0x5e: {  	v42 =	vadd.s32 v13, v33;
	[tilespmem:$0x1E0] =	vst v41  }
0x5f: {  	v43 =	vadd.s32 v13, v32;
	[tilespmem:$0x1F0] =	vst v42  }
0x60: {  	v44 =	vadd.s32 v14, v34;
	[tilespmem:$0x200] =	vst v43  }
0x61: {  	v45 =	vadd.s32 v14, v33;
	[tilespmem:$0x210] =	vst v44  }
0x62: {  	v46 =	vadd.s32 v14, v32;
	[tilespmem:$0x220] =	vst v45  }
0x63: {  	[tilespmem:$0x230] =	vst v46  }
0x64: {  	[tilespmem:s19], [sflag:$0x2] =	stream.indirect.gather [hbm4b:s1+s15], $0x80, s18, s15, $0xb8;
	[tilespmem:$0xC280] =	vst v63  }
0x65: {  	_ =	swait.ge [sflag:s20], $0x6000  }
0x66: {  	[sflag:s20] =	ssyncset.done $0x0  }
0x67: {  	[sflag:s20] =	ssyncadd.s32 $0xFFFFA000  }
0x68: {  	[hbm4b:s7+s3] =	stream.linear.scatter [tilespmem:s17], [sflag:$0x3], $0x6000, $0x38;
	[tilespmem:$0xC280] =	vst v63  }
0x69: {  	_ =	swait.ge [sflag:s21], $0x6000  }
0x6a: {  	[sflag:s21] =	ssyncset.done $0x0  }
0x6b: {  	v47 =	vadd.s32 v15, v34;
	[sflag:s21] =	ssyncadd.s32 $0xFFFFA000  }
0x6c: {  	v48 =	vadd.s32 v15, v33;
	[tilespmem:$0x80] =	vst v47  }
0x6d: {  	v49 =	vadd.s32 v15, v32;
	[tilespmem:$0x90] =	vst v48  }
0x6e: {  	v50 =	vadd.s32 v16, v34;
	[tilespmem:$0xA0] =	vst v49  }
0x6f: {  	v51 =	vadd.s32 v16, v33;
	[tilespmem:$0xB0] =	vst v50  }
0x70: {  	v52 =	vadd.s32 v16, v32;
	[tilespmem:$0xC0] =	vst v51  }
0x71: {  	v53 =	vadd.s32 v18, v34;
	[tilespmem:$0xD0] =	vst v52  }
0x72: {  	v54 =	vadd.s32 v18, v33;
	[tilespmem:$0xE0] =	vst v53  }
0x73: {  	v55 =	vadd.s32 v18, v32;
	[tilespmem:$0xF0] =	vst v54  }
0x74: {  	v56 =	vadd.s32 v19, v34;
	[tilespmem:$0x100] =	vst v55  }
0x75: {  	v57 =	vadd.s32 v19, v33;
	[tilespmem:$0x110] =	vst v56  }
0x76: {  	v58 =	vadd.s32 v19, v32;
	[tilespmem:$0x120] =	vst v57  }
0x77: {  	[tilespmem:$0x130] =	vst v58  }
0x78: {  	[tilespmem:s17], [sflag:$0x1] =	stream.indirect.gather [hbm4b:s1+s15], $0x80, s16, s15, $0xb8;
	[tilespmem:$0xC280] =	vst v63  }
0x79: {  	_ =	swait.ge [sflag:s22], $0x6000  }
0x7a: {  	[sflag:s22] =	ssyncset.done $0x0  }
0x7b: {  	[sflag:s22] =	ssyncadd.s32 $0xFFFFA000  }
0x7c: {  	[hbm4b:s8+s3] =	stream.linear.scatter [tilespmem:s19], [sflag:$0x4], $0x6000, $0x38;
	[tilespmem:$0xC280] =	vst v63  }
0x7d: {  	_ =	swait.ge [sflag:s23], $0x6000  }
0x7e: {  	[sflag:s23] =	ssyncset.done $0x0  }
0x7f: {  	v59 =	vadd.s32 v20, v34;
	[sflag:s23] =	ssyncadd.s32 $0xFFFFA000  }
0x80: {  	v60 =	vadd.s32 v20, v33;
	[tilespmem:$0x180] =	vst v59  }
0x81: {  	v61 =	vadd.s32 v20, v32;
	[tilespmem:$0x190] =	vst v60  }
0x82: {  	v62 =	vadd.s32 v21, v34;
	[tilespmem:$0x1A0] =	vst v61  }
0x83: {  	v63 =	vadd.s32 v21, v33;
	[tilespmem:$0x1B0] =	vst v62  }
0x84: {  	v36 =	vadd.s32 v21, v32;
	[tilespmem:$0x1C0] =	vst v63  }
0x85: {  	v37 =	vadd.s32 v22, v34;
	[tilespmem:$0x1D0] =	vst v36  }
0x86: {  	v38 =	vadd.s32 v22, v33;
	[tilespmem:$0x1E0] =	vst v37  }
0x87: {  	v39 =	vadd.s32 v22, v32;
	[tilespmem:$0x1F0] =	vst v38  }
0x88: {  	v40 =	vadd.s32 v23, v34;
	[tilespmem:$0x200] =	vst v39  }
0x89: {  	v41 =	vadd.s32 v23, v33;
	[tilespmem:$0x210] =	vst v40  }
0x8a: {  	v42 =	vadd.s32 v23, v32;
	[tilespmem:$0x220] =	vst v41  }
0x8b: {  	[tilespmem:$0x230] =	vst v42  }
0x8c: {  	[tilespmem:s19], [sflag:$0x2] =	stream.indirect.gather [hbm4b:s1+s15], $0x80, s18, s15, $0xb8;
	[tilespmem:$0xC280] =	vst v63  }
0x8d: {  	_ =	swait.ge [sflag:s20], $0x6000  }
0x8e: {  	[sflag:s20] =	ssyncset.done $0x0  }
0x8f: {  	[sflag:s20] =	ssyncadd.s32 $0xFFFFA000  }
0x90: {  	[hbm4b:s9+s3] =	stream.linear.scatter [tilespmem:s17], [sflag:$0x3], $0x6000, $0x38;
	[tilespmem:$0xC280] =	vst v63  }
0x91: {  	_ =	swait.ge [sflag:s21], $0x6000  }
0x92: {  	[sflag:s21] =	ssyncset.done $0x0  }
0x93: {  	v43 =	vadd.s32 v24, v34;
	[sflag:s21] =	ssyncadd.s32 $0xFFFFA000  }
0x94: {  	v44 =	vadd.s32 v24, v33;
	[tilespmem:$0x80] =	vst v43  }
0x95: {  	v45 =	vadd.s32 v24, v32;
	[tilespmem:$0x90] =	vst v44  }
0x96: {  	v46 =	vadd.s32 v25, v34;
	[tilespmem:$0xA0] =	vst v45  }
0x97: {  	v47 =	vadd.s32 v25, v33;
	[tilespmem:$0xB0] =	vst v46  }
0x98: {  	v48 =	vadd.s32 v25, v32;
	[tilespmem:$0xC0] =	vst v47  }
0x99: {  	v49 =	vadd.s32 v26, v34;
	[tilespmem:$0xD0] =	vst v48  }
0x9a: {  	v50 =	vadd.s32 v26, v33;
	[tilespmem:$0xE0] =	vst v49  }
0x9b: {  	v51 =	vadd.s32 v26, v32;
	[tilespmem:$0xF0] =	vst v50  }
0x9c: {  	v52 =	vadd.s32 v27, v34;
	[tilespmem:$0x100] =	vst v51  }
0x9d: {  	v53 =	vadd.s32 v27, v33;
	[tilespmem:$0x110] =	vst v52  }
0x9e: {  	v54 =	vadd.s32 v27, v32;
	[tilespmem:$0x120] =	vst v53  }
0x9f: {  	[tilespmem:$0x130] =	vst v54  }
0xa0: {  	[tilespmem:s17], [sflag:$0x1] =	stream.indirect.gather [hbm4b:s1+s15], $0x80, s16, s15, $0xb8;
	[tilespmem:$0xC280] =	vst v63  }
0xa1: {  	_ =	swait.ge [sflag:s22], $0x6000  }
0xa2: {  	[sflag:s22] =	ssyncset.done $0x0  }
0xa3: {  	[sflag:s22] =	ssyncadd.s32 $0xFFFFA000  }
0xa4: {  	[hbm4b:s10+s3] =	stream.linear.scatter [tilespmem:s19], [sflag:$0x4], $0x6000, $0x38;
	[tilespmem:$0xC280] =	vst v63  }
0xa5: {  	_ =	swait.ge [sflag:s23], $0x6000  }
0xa6: {  	[sflag:s23] =	ssyncset.done $0x0  }
0xa7: {  	v55 =	vadd.s32 v28, v34;
	[sflag:s23] =	ssyncadd.s32 $0xFFFFA000  }
0xa8: {  	v56 =	vadd.s32 v28, v33;
	[tilespmem:$0x180] =	vst v55  }
0xa9: {  	v57 =	vadd.s32 v28, v32;
	[tilespmem:$0x190] =	vst v56  }
0xaa: {  	v58 =	vadd.s32 v29, v34;
	[tilespmem:$0x1A0] =	vst v57  }
0xab: {  	v59 =	vadd.s32 v29, v33;
	[tilespmem:$0x1B0] =	vst v58  }
0xac: {  	v60 =	vadd.s32 v29, v32;
	[tilespmem:$0x1C0] =	vst v59  }
0xad: {  	v61 =	vadd.s32 v30, v34;
	[tilespmem:$0x1D0] =	vst v60  }
0xae: {  	v62 =	vadd.s32 v30, v33;
	[tilespmem:$0x1E0] =	vst v61  }
0xaf: {  	v63 =	vadd.s32 v30, v32;
	[tilespmem:$0x1F0] =	vst v62  }
0xb0: {  	v34 =	vadd.s32 v31, v34;
	[tilespmem:$0x200] =	vst v63  }
0xb1: {  	v33 =	vadd.s32 v31, v33;
	[tilespmem:$0x210] =	vst v34  }
0xb2: {  	v32 =	vadd.s32 v31, v32;
	[tilespmem:$0x220] =	vst v33  }
0xb3: {  	[tilespmem:$0x230] =	vst v32  }
0xb4: {  	[tilespmem:s19], [sflag:$0x2] =	stream.indirect.gather [hbm4b:s1+s15], $0x80, s18, s15, $0xb8;
	[tilespmem:$0xC280] =	vst v63  }
0xb5: {  	_ =	swait.ge [sflag:s20], $0x6000  }
0xb6: {  	[sflag:s20] =	ssyncset.done $0x0  }
0xb7: {  	[sflag:s20] =	ssyncadd.s32 $0xFFFFA000  }
0xb8: {  	[hbm4b:s11+s3] =	stream.linear.scatter [tilespmem:s17], [sflag:$0x3], $0x6000, $0x38;
	[tilespmem:$0xC280] =	vst v63  }
0xb9: {  	_ =	swait.ge [sflag:s22], $0x6000  }
0xba: {  	[sflag:s22] =	ssyncset.done $0x0  }
0xbb: {  	[sflag:s22] =	ssyncadd.s32 $0xFFFFA000  }
0xbc: {  	[hbm4b:s12+s3] =	stream.linear.scatter [tilespmem:s19], [sflag:$0x4], $0x6000, $0x38;
	[tilespmem:$0xC280] =	vst v63  }
0xbd: {  	p0 =	sne.s32 s13, $0x1;
	_ =	swait.ge [sflag:s21], $0x6000  }
.Ltmp0:
0xbe: {  	[sflag:s21] =	ssyncset.done $0x0;
	(pc) =	sbr.rel @p0 .LBB2_1-.Ltmp0, $4  }
0xbf: {  	[sflag:s21] =	ssyncadd.s32 $0xFFFFA000  }
0xc0: {  	_ =	swait.ge [sflag:s23], $0x6000  }
0xc1: {  	[sflag:s23] =	ssyncset.done $0x0  }
0xc2: {  	s13 =	sadd.s32 $0xFFFFFFFF, s13;
	[sflag:s23] =	ssyncadd.s32 $0xFFFFA000  }
0xc3: {  	_ =	sfence.sel $0x180000  }
0xc4: {  	[bflag:$0x0] =	sbarrier.arrive $0xFFFF  }
0xc5: {  	p0 =	sne.s32 s2, $0x0;
	_ =	strace $0x90000047  }
0xc6: {  	s0 =	sadd.s32 @!p0 $0x100000, s0;
	[bflag:$0x2] =	sbarrier.arrive $0xFFFF  }
0xc7: {  	[sflag:s0] =	ssyncadd.tile.s32 @!p0 $0x1;
	_ =	shalt  }
.Lfunc_end2:
_tile_overlayer_lowered:
.L_overlay_start_2:
0xc8: {  	(tag) =	ssettag $0x2  }
0xc9: {  	s0 =	rddreg [dreg:$0x0];
	s2 =	stileid.u32  }
0xca: {  	s1 =	rddreg [dreg:$0x1];
	p0 =	sne.s32 s2, $0x0  }
0xcb: {  	s3 =	rddreg [dreg:$0x2];
	[bflag:$0x3] =	sbarrier.arrive $0xFFFF;
	s2 =	simm.s32 @!p0 $0x1C05  }
0xcc: {  	[timem:s3], [sflag:s2] =	dma.local @!p0 [hbm:s0], s1  }
0xcd: {  	s0 =	simm.s32 @!p0 $0x5  }
0xce: {  	_ =	swait.ge @!p0 [sflag:s0], s1  }
0xcf: {  	s1 =	ssub.s32 @!p0 $0x0, s1;
	[sflag:s0] =	ssyncset.done @!p0 $0x0  }
0xd0: {  	[sflag:s0] =	ssyncadd.s32 @!p0 s1  }
0xd1: {  	[bflag:$0x3] =	sbarrier.arrive $0xFFFF  }
0xd2: {  	_ =	shalt  }

</sc_bundles>
